<compile_context>
chip_gen: v7x
topology: tpu7x:2x2x1
jax: 0.10.2.dev20260603
libtpu: 0.0.44.dev20260713+nightly
codegen_flags: <defaults>
</compile_context>

<pallas_src>
import functools

import jax
import jax.numpy as jnp
from jax import lax
from jax.experimental import pallas as pl
from jax.experimental.pallas import tpu as pltpu
from jax.experimental.pallas import tpu_sc as plsc

_N = 100000
_E = 1600000
_NW = 32
_SLC = 6272
_NPAD = 16 * _SLC
_RB = _NPAD // 128
_K = 4
_RPW = 396
_STEPS = _RPW // _K
_TRIPLES = _STEPS // 3
_EPAD = _NW * _RPW * 128
_ER = _EPAD // 128

_mesh = plsc.VectorSubcoreMesh(core_axis_name="c", subcore_axis_name="s")


@jax.jit
def _sc_deg(dst2d, zeros1):
  @functools.partial(
      pl.kernel,
      out_type=jax.ShapeDtypeStruct((2, _NPAD), jnp.float32),
      mesh=_mesh,
      scratch_types=[
          pltpu.VMEM((3, _K, 128), jnp.int32),
          pltpu.VMEM((128,), jnp.float32),
          pltpu.VMEM_SHARED((_NPAD,), jnp.float32),
          pltpu.SemaphoreType.DMA,
          pltpu.SemaphoreType.DMA,
          pltpu.SemaphoreType.DMA,
          pltpu.SemaphoreType.DMA,
      ],
  )
  def k(dst_hbm, z_hbm, out_hbm, idx_v, ones_v, acc_sh, semi, sem0, sem1,
        sem2):
    sems = (sem0, sem1, sem2)
    c = lax.axis_index("c")
    s = lax.axis_index("s")
    wid = s * 2 + c
    for i in range(8):
      ones_v[pl.ds(i * 16, 16)] = jnp.ones((16,), jnp.float32)
    slc = pl.ds(s * _SLC, _SLC)
    pltpu.sync_copy(z_hbm.at[slc], acc_sh.at[slc])
    plsc.subcore_barrier()
    base = wid * _RPW
    pltpu.async_copy(dst_hbm.at[pl.ds(base, _K)], idx_v.at[0], semi)

    @pl.loop(0, _TRIPLES)
    def _(h):
      for i in range(3):
        q = i
        qn = (i + 1) % 3
        g = 3 * h + i

        def drain(qn=qn):
          for j in range(_K):
            pltpu.make_async_copy(
                ones_v, acc_sh.at[idx_v.at[qn].at[j]], sems[qn]).wait()
        if i < 2:
          pl.when(h > 0)(drain)
        else:
          drain()

        pltpu.make_async_copy(
            dst_hbm.at[pl.ds(base + g * _K, _K)], idx_v.at[q], semi).wait()

        def prefetch(g=g, qn=qn):
          pltpu.async_copy(
              dst_hbm.at[pl.ds(base + (g + 1) * _K, _K)], idx_v.at[qn],
              semi)
        if i == 2:
          pl.when(h < _TRIPLES - 1)(prefetch)
        else:
          prefetch()

        for j in range(_K):
          pltpu.async_copy(ones_v, acc_sh.at[idx_v.at[q].at[j]], sems[q],
                           add=True)

    for q in (1, 2):
      for j in range(_K):
        pltpu.make_async_copy(
            ones_v, acc_sh.at[idx_v.at[q].at[j]], sems[q]).wait()
    plsc.subcore_barrier()
    pltpu.sync_copy(acc_sh.at[slc], out_hbm.at[c].at[slc])

  return k(dst2d, zeros1)


def _edge_pipeline(src_hbm, dst_hbm, table_v, acc_sh, idxs_v, idxd_v,
                   vals_v, semi_s, semi_d, sems, base):
  pltpu.async_copy(src_hbm.at[pl.ds(base, _K)], idxs_v.at[0], semi_s)
  pltpu.async_copy(dst_hbm.at[pl.ds(base, _K)], idxd_v.at[0], semi_d)

  @pl.loop(0, _TRIPLES)
  def _(h):
    for i in range(3):
      q = i
      qn = (i + 1) % 3
      g = 3 * h + i

      def drain(qn=qn):
        for j in range(_K):
          pltpu.make_async_copy(
              vals_v.at[qn].at[j], acc_sh.at[idxd_v.at[qn].at[j]],
              sems[qn]).wait()
      if i < 2:
        pl.when(h > 0)(drain)
      else:
        drain()

      pltpu.make_async_copy(
          src_hbm.at[pl.ds(base + g * _K, _K)], idxs_v.at[q], semi_s).wait()
      pltpu.make_async_copy(
          dst_hbm.at[pl.ds(base + g * _K, _K)], idxd_v.at[q], semi_d).wait()

      def prefetch(g=g, qn=qn):
        pltpu.async_copy(
            src_hbm.at[pl.ds(base + (g + 1) * _K, _K)], idxs_v.at[qn],
            semi_s)
        pltpu.async_copy(
            dst_hbm.at[pl.ds(base + (g + 1) * _K, _K)], idxd_v.at[qn],
            semi_d)
      if i == 2:
        pl.when(h < _TRIPLES - 1)(prefetch)
      else:
        prefetch()

      for j in range(_K):
        for t in range(8):
          i16 = idxs_v[q, j, pl.ds(t * 16, 16)]
          vals_v[q, j, pl.ds(t * 16, 16)] = plsc.load_gather(table_v, [i16])
      for j in range(_K):
        pltpu.async_copy(vals_v.at[q].at[j], acc_sh.at[idxd_v.at[q].at[j]],
                         sems[q], add=True)

  for q in (1, 2):
    for j in range(_K):
      pltpu.make_async_copy(
          vals_v.at[q].at[j], acc_sh.at[idxd_v.at[q].at[j]], sems[q]).wait()


@jax.jit
def _sc_edge1(src2d, dst2d, p1, zeros1):
  @functools.partial(
      pl.kernel,
      out_type=jax.ShapeDtypeStruct((2, _NPAD), jnp.float32),
      mesh=_mesh,
      compiler_params=pltpu.CompilerParams(needs_layout_passes=False),
      scratch_types=[
          pltpu.VMEM((3, _K, 128), jnp.int32),
          pltpu.VMEM((3, _K, 128), jnp.int32),
          pltpu.VMEM((3, _K, 128), jnp.float32),
          pltpu.VMEM((_NPAD,), jnp.float32),
          pltpu.VMEM_SHARED((_NPAD,), jnp.float32),
          pltpu.SemaphoreType.DMA,
          pltpu.SemaphoreType.DMA,
          pltpu.SemaphoreType.DMA,
          pltpu.SemaphoreType.DMA,
          pltpu.SemaphoreType.DMA,
      ],
  )
  def k(src_hbm, dst_hbm, p1_hbm, z_hbm, out_hbm, idxs_v, idxd_v, vals_v,
        table_v, acc_sh, semi_s, semi_d, sem0, sem1, sem2):
    c = lax.axis_index("c")
    s = lax.axis_index("s")
    wid = s * 2 + c
    slc = pl.ds(s * _SLC, _SLC)
    pltpu.sync_copy(p1_hbm, table_v)
    pltpu.sync_copy(z_hbm.at[slc], acc_sh.at[slc])
    plsc.subcore_barrier()
    _edge_pipeline(src_hbm, dst_hbm, table_v, acc_sh, idxs_v, idxd_v, vals_v,
                   semi_s, semi_d, (sem0, sem1, sem2), wid * _RPW)
    plsc.subcore_barrier()
    pltpu.sync_copy(acc_sh.at[slc], out_hbm.at[c].at[slc])

  return k(src2d, dst2d, p1, zeros1)


@jax.jit
def _sc_edge4(src2d, dst2d, p2, zeros1):
  @functools.partial(
      pl.kernel,
      out_type=jax.ShapeDtypeStruct((2, 4, _NPAD), jnp.float32),
      mesh=_mesh,
      compiler_params=pltpu.CompilerParams(needs_layout_passes=False),
      scratch_types=[
          pltpu.VMEM((3, _K, 128), jnp.int32),
          pltpu.VMEM((3, _K, 128), jnp.int32),
          pltpu.VMEM((3, _K, 128), jnp.float32),
          pltpu.VMEM((_NPAD,), jnp.float32),
          [pltpu.VMEM_SHARED((_NPAD,), jnp.float32) for _ in range(4)],
          pltpu.SemaphoreType.DMA,
          pltpu.SemaphoreType.DMA,
          pltpu.SemaphoreType.DMA,
          pltpu.SemaphoreType.DMA,
          pltpu.SemaphoreType.DMA,
      ],
  )
  def k(src_hbm, dst_hbm, p2_hbm, z_hbm, out_hbm, idxs_v, idxd_v, vals_v,
        table_v, acc_shs, semi_s, semi_d, sem0, sem1, sem2):
    c = lax.axis_index("c")
    s = lax.axis_index("s")
    wid = s * 2 + c
    slc = pl.ds(s * _SLC, _SLC)
    for f in range(4):
      pltpu.sync_copy(z_hbm.at[slc], acc_shs[f].at[slc])
    plsc.subcore_barrier()
    for f in range(4):
      pltpu.sync_copy(p2_hbm.at[f], table_v)
      _edge_pipeline(src_hbm, dst_hbm, table_v, acc_shs[f], idxs_v,
                     idxd_v, vals_v, semi_s, semi_d, (sem0, sem1, sem2),
                     wid * _RPW)
    plsc.subcore_barrier()
    for f in range(4):
      pltpu.sync_copy(acc_shs[f].at[slc], out_hbm.at[c].at[f].at[slc])

  return k(src2d, dst2d, p2, zeros1)


def _tc_d1_body(deg_ref, x0_ref, dinv_ref, p1_ref):
  deg = deg_ref[0] + deg_ref[1] + 1.0
  dinv = lax.rsqrt(deg)
  dinv = dinv * (1.5 - 0.5 * deg * dinv * dinv)
  dinv_ref[...] = dinv
  p1_ref[...] = dinv * x0_ref[...]


@jax.jit
def _tc_d1(deg2, x0):
  return pl.pallas_call(
      _tc_d1_body,
      out_shape=(
          jax.ShapeDtypeStruct((_RB, 128), jnp.float32),
          jax.ShapeDtypeStruct((_RB, 128), jnp.float32),
      ),
  )(deg2, x0)


def _bf16r(v):
  return v.astype(jnp.bfloat16).astype(jnp.float32)


def _tc_d2_body(s1_ref, dinv_ref, x0_ref, w1_ref, b1_ref, w2_ref,
                hw_ref, p2_ref):
  dinv = dinv_ref[...]
  s1 = s1_ref[0] + s1_ref[1]
  a = dinv * (s1 + dinv * x0_ref[...])
  acc = [None] * 4
  for kk in range(32):
    t = _bf16r(jnp.maximum(a * w1_ref[0, kk] + b1_ref[0, kk], 0.0))
    for j in range(4):
      u = t * _bf16r(w2_ref[kk, j])
      acc[j] = u if acc[j] is None else acc[j] + u
  for j in range(4):
    hw_ref[j] = acc[j]
    p2_ref[j] = acc[j] * dinv


@jax.jit
def _tc_d2(s1_2, dinv, x0, w1, b1, w2):
  smem = pl.BlockSpec(memory_space=pltpu.SMEM)
  vmem = pl.BlockSpec(memory_space=pltpu.VMEM)
  return pl.pallas_call(
      _tc_d2_body,
      in_specs=[vmem, vmem, vmem, smem, smem, smem],
      out_shape=(
          jax.ShapeDtypeStruct((4, _RB, 128), jnp.float32),
          jax.ShapeDtypeStruct((4, _RB, 128), jnp.float32),
      ),
  )(s1_2, dinv, x0, w1, b1, w2)


def _tc_d3_body(s2_ref, dinv_ref, hw_ref, b2_ref, wd1_ref, bd1_ref,
                wd2_ref, bd2_ref, out_ref):
  dinv = dinv_ref[...]
  z = [None] * 4
  for j in range(4):
    zj = dinv * (s2_ref[0, j] + s2_ref[1, j] + dinv * hw_ref[j]) \
        + b2_ref[0, j]
    z[j] = _bf16r(zj)
  out = None
  for kk in range(32):
    t = z[0] * _bf16r(wd1_ref[0, kk])
    for j in range(1, 4):
      t = t + z[j] * _bf16r(wd1_ref[j, kk])
    t = _bf16r(jnp.maximum(t + bd1_ref[0, kk], 0.0))
    u = t * _bf16r(wd2_ref[kk, 0])
    out = u if out is None else out + u
  out_ref[...] = out + bd2_ref[0, 0]


@jax.jit
def _tc_d3(s2m, dinv, hw, b2, wd1, bd1, wd2, bd2):
  smem = pl.BlockSpec(memory_space=pltpu.SMEM)
  vmem = pl.BlockSpec(memory_space=pltpu.VMEM)
  return pl.pallas_call(
      _tc_d3_body,
      in_specs=[vmem, vmem, vmem, smem, smem, smem, smem, smem],
      out_shape=jax.ShapeDtypeStruct((_RB, 128), jnp.float32),
  )(s2m, dinv, hw, b2, wd1, bd1, wd2, bd2)


def kernel(x, edge_index, W1, b1, W2, b2, Wd1, bd1, Wd2, bd2):
  src = edge_index[0]
  dst = edge_index[1]
  npad_edges = _EPAD - _E
  padidx = _N + (jnp.arange(npad_edges, dtype=jnp.int32) % (_NPAD - _N))
  src2d = jnp.concatenate([src, padidx]).reshape(_ER, 128)
  dst2d = jnp.concatenate([dst, padidx]).reshape(_ER, 128)
  zeros1 = jnp.zeros((_NPAD,), jnp.float32)
  x0 = jnp.pad(x[:, 0], (0, _NPAD - _N)).reshape(_RB, 128)

  deg2 = _sc_deg(dst2d, zeros1)
  dinv, p1 = _tc_d1(deg2.reshape(2, _RB, 128), x0)
  s1_2 = _sc_edge1(src2d, dst2d, p1.reshape(_NPAD), zeros1)
  hw, p2m = _tc_d2(s1_2.reshape(2, _RB, 128), dinv, x0,
                   W1, b1.reshape(1, 32), W2)
  s2_2 = _sc_edge4(src2d, dst2d, p2m.reshape(4, _NPAD), zeros1)
  s2m = s2_2.reshape(2, 4, _RB, 128)
  xh = _tc_d3(s2m, dinv, hw, b2.reshape(1, 4),
              Wd1, bd1.reshape(1, 32), Wd2, bd2.reshape(1, 1))
  return xh.reshape(_NPAD)[:_N, None]

# --- scband reference (transcript-rebuilt; emitter-appended) ---
"""Pipeline reference for scband-ae-18657337934455 (READ-ONLY COPY).

The authoritative reference and input builder live on the scoring server;
editing this copy changes nothing except your own understanding.
"""

import jax, jax.numpy as jnp
import numpy as np

N = 100000
E = 1600000
IN_CH = 1
HID = 32
LAT = 4


def setup_inputs(seed: int = 0) -> dict:
    key = jax.random.key(seed)
    ks = jax.random.split(key, 12)
    x = jax.random.normal(ks[0], (N, IN_CH), dtype=jnp.float32)
    edge_index = jax.random.randint(ks[1], (2, E), 0, N, dtype=jnp.int32)
    W1 = jax.random.normal(ks[2], (IN_CH, HID), dtype=jnp.float32) * (1.0 / np.sqrt(IN_CH))
    b1 = jnp.zeros((HID,), dtype=jnp.float32)
    W2 = jax.random.normal(ks[3], (HID, LAT), dtype=jnp.float32) * (1.0 / np.sqrt(HID))
    b2 = jnp.zeros((LAT,), dtype=jnp.float32)
    Wd1 = jax.random.normal(ks[4], (LAT, HID), dtype=jnp.float32) * (1.0 / np.sqrt(LAT))
    bd1 = jnp.zeros((HID,), dtype=jnp.float32)
    Wd2 = jax.random.normal(ks[5], (HID, IN_CH), dtype=jnp.float32) * (1.0 / np.sqrt(HID))
    bd2 = jnp.zeros((IN_CH,), dtype=jnp.float32)
    return {"x": x, "edge_index": edge_index, "W1": W1, "b1": b1, "W2": W2, "b2": b2, "Wd1": Wd1, "bd1": bd1, "Wd2": Wd2, "bd2": bd2}


def gcn_conv(x, edge_index, W, b):
    # PyG GCNConv: add self-loops, symmetric normalization, x @ W, scatter-add at dst
    n = x.shape[0]
    loop = jnp.arange(n, dtype=edge_index.dtype)
    src = jnp.concatenate([edge_index[0], loop])
    dst = jnp.concatenate([edge_index[1], loop])
    deg = jnp.zeros((n,), dtype=x.dtype).at[dst].add(1.0)
    dinv = jax.lax.rsqrt(deg)  # deg >= 1 due to self-loops
    norm = dinv[src] * dinv[dst]
    xw = x @ W
    msgs = jnp.take(xw, src, axis=0) * norm[:, None]
    out = jnp.zeros((n, W.shape[1]), dtype=x.dtype).at[dst].add(msgs)
    return out + b


def reference(x, edge_index, W1, b1, W2, b2, Wd1, bd1, Wd2, bd2):
    h = jax.nn.relu(gcn_conv(x, edge_index, W1, b1))
    z = gcn_conv(h, edge_index, W2, b2)
    h2 = jax.nn.relu(z @ Wd1 + bd1)
    x_hat = h2 @ Wd2 + bd2
    return x_hat

if __name__ == "__main__":
    import jax
    _d = setup_inputs()
    print(jax.jit(kernel)(*tuple(_d.values())))

</pallas_src>

<mosaic_0001>
#map = affine_map<(d0, d1) -> (0, 0)>
#map1 = affine_map<(d0, d1) -> (0)>
module attributes {stable_mosaic.version = 14 : i64} {
  func.func @k(%arg0: i32, %arg1: i32, %arg2: memref<12672x128xi32, #tpu.memory_space<hbm>>, %arg3: memref<100352xf32, #tpu.memory_space<hbm>>, %arg4: memref<2x100352xf32, #tpu.memory_space<hbm>>, %arg5: memref<3x4x128xi32, #tpu.memory_space<vmem>>, %arg6: memref<128xf32, #tpu.memory_space<vmem>>, %arg7: memref<100352xf32, #tpu.memory_space<vmem_shared>>, %arg8: memref<!tpu.dma_semaphore, #tpu.memory_space<semaphore_mem>>, %arg9: memref<!tpu.dma_semaphore, #tpu.memory_space<semaphore_mem>>, %arg10: memref<!tpu.dma_semaphore, #tpu.memory_space<semaphore_mem>>, %arg11: memref<!tpu.dma_semaphore, #tpu.memory_space<semaphore_mem>>) attributes {dimension_semantics = [#tpu.dimension_semantics<core_parallel>, #tpu.dimension_semantics<subcore_parallel>], iteration_bounds = array<i64: 2, 16>, scalar_prefetch = 0 : i64, scratch_operands = 7 : i64, tpu.core_type = #tpu.core_type<sc_vector_subcore>, window_params = [{transform_indices = #map}, {transform_indices = #map1}, {transform_indices = #map}]} {
    %mul3A = arith.constant 2 : i32
    %mul3A_0 = arith.muli %arg1, %mul3A : i32
    %add3A = arith.addi %mul3A_0, %arg0 : i32
    %broadcast_in_dim3A = arith.constant 1.000000e+00 : f32
    %broadcast_in_dim3A_1 = vector.broadcast %broadcast_in_dim3A : f32 to vector<16xf32>
    %swap3A = arith.constant 0 : index
    %swap3A_2 = tpu.vector_load %arg6[%swap3A] {strides = array<i32>} : memref<128xf32, #tpu.memory_space<vmem>>, vector<16xf32>,
    %swap3A_3 = vector.shape_cast %swap3A_2 : vector<16xf32> to vector<16xf32>
    %swap3A_4 = vector.shape_cast %broadcast_in_dim3A_1 : vector<16xf32> to vector<16xf32>
    tpu.vector_store %arg6[%swap3A], %swap3A_4 {strides = array<i32>} : memref<128xf32, #tpu.memory_space<vmem>>, vector<16xf32>,
    %broadcast_in_dim3A_5 = arith.constant 1.000000e+00 : f32
    %broadcast_in_dim3A_6 = vector.broadcast %broadcast_in_dim3A_5 : f32 to vector<16xf32>
    %swap3A_7 = arith.constant 16 : index
    %swap3A_8 = tpu.vector_load %arg6[%swap3A_7] {strides = array<i32>} : memref<128xf32, #tpu.memory_space<vmem>>, vector<16xf32>,
    %swap3A_9 = vector.shape_cast %swap3A_8 : vector<16xf32> to vector<16xf32>
    %swap3A_10 = vector.shape_cast %broadcast_in_dim3A_6 : vector<16xf32> to vector<16xf32>
    tpu.vector_store %arg6[%swap3A_7], %swap3A_10 {strides = array<i32>} : memref<128xf32, #tpu.memory_space<vmem>>, vector<16xf32>,
    %broadcast_in_dim3A_11 = arith.constant 1.000000e+00 : f32
    %broadcast_in_dim3A_12 = vector.broadcast %broadcast_in_dim3A_11 : f32 to vector<16xf32>
    %swap3A_13 = arith.constant 32 : index
    %swap3A_14 = tpu.vector_load %arg6[%swap3A_13] {strides = array<i32>} : memref<128xf32, #tpu.memory_space<vmem>>, vector<16xf32>,
    %swap3A_15 = vector.shape_cast %swap3A_14 : vector<16xf32> to vector<16xf32>
    %swap3A_16 = vector.shape_cast %broadcast_in_dim3A_12 : vector<16xf32> to vector<16xf32>
    tpu.vector_store %arg6[%swap3A_13], %swap3A_16 {strides = array<i32>} : memref<128xf32, #tpu.memory_space<vmem>>, vector<16xf32>,
    %broadcast_in_dim3A_17 = arith.constant 1.000000e+00 : f32
    %broadcast_in_dim3A_18 = vector.broadcast %broadcast_in_dim3A_17 : f32 to vector<16xf32>
    %swap3A_19 = arith.constant 48 : index
    %swap3A_20 = tpu.vector_load %arg6[%swap3A_19] {strides = array<i32>} : memref<128xf32, #tpu.memory_space<vmem>>, vector<16xf32>,
    %swap3A_21 = vector.shape_cast %swap3A_20 : vector<16xf32> to vector<16xf32>
    %swap3A_22 = vector.shape_cast %broadcast_in_dim3A_18 : vector<16xf32> to vector<16xf32>
    tpu.vector_store %arg6[%swap3A_19], %swap3A_22 {strides = array<i32>} : memref<128xf32, #tpu.memory_space<vmem>>, vector<16xf32>,
    %broadcast_in_dim3A_23 = arith.constant 1.000000e+00 : f32
    %broadcast_in_dim3A_24 = vector.broadcast %broadcast_in_dim3A_23 : f32 to vector<16xf32>
    %swap3A_25 = arith.constant 64 : index
    %swap3A_26 = tpu.vector_load %arg6[%swap3A_25] {strides = array<i32>} : memref<128xf32, #tpu.memory_space<vmem>>, vector<16xf32>,
    %swap3A_27 = vector.shape_cast %swap3A_26 : vector<16xf32> to vector<16xf32>
    %swap3A_28 = vector.shape_cast %broadcast_in_dim3A_24 : vector<16xf32> to vector<16xf32>
    tpu.vector_store %arg6[%swap3A_25], %swap3A_28 {strides = array<i32>} : memref<128xf32, #tpu.memory_space<vmem>>, vector<16xf32>,
    %broadcast_in_dim3A_29 = arith.constant 1.000000e+00 : f32
    %broadcast_in_dim3A_30 = vector.broadcast %broadcast_in_dim3A_29 : f32 to vector<16xf32>
    %swap3A_31 = arith.constant 80 : index
    %swap3A_32 = tpu.vector_load %arg6[%swap3A_31] {strides = array<i32>} : memref<128xf32, #tpu.memory_space<vmem>>, vector<16xf32>,
    %swap3A_33 = vector.shape_cast %swap3A_32 : vector<16xf32> to vector<16xf32>
    %swap3A_34 = vector.shape_cast %broadcast_in_dim3A_30 : vector<16xf32> to vector<16xf32>
    tpu.vector_store %arg6[%swap3A_31], %swap3A_34 {strides = array<i32>} : memref<128xf32, #tpu.memory_space<vmem>>, vector<16xf32>,
    %broadcast_in_dim3A_35 = arith.constant 1.000000e+00 : f32
    %broadcast_in_dim3A_36 = vector.broadcast %broadcast_in_dim3A_35 : f32 to vector<16xf32>
    %swap3A_37 = arith.constant 96 : index
    %swap3A_38 = tpu.vector_load %arg6[%swap3A_37] {strides = array<i32>} : memref<128xf32, #tpu.memory_space<vmem>>, vector<16xf32>,
    %swap3A_39 = vector.shape_cast %swap3A_38 : vector<16xf32> to vector<16xf32>
    %swap3A_40 = vector.shape_cast %broadcast_in_dim3A_36 : vector<16xf32> to vector<16xf32>
    tpu.vector_store %arg6[%swap3A_37], %swap3A_40 {strides = array<i32>} : memref<128xf32, #tpu.memory_space<vmem>>, vector<16xf32>,
    %broadcast_in_dim3A_41 = arith.constant 1.000000e+00 : f32
    %broadcast_in_dim3A_42 = vector.broadcast %broadcast_in_dim3A_41 : f32 to vector<16xf32>
    %swap3A_43 = arith.constant 112 : index
    %swap3A_44 = tpu.vector_load %arg6[%swap3A_43] {strides = array<i32>} : memref<128xf32, #tpu.memory_space<vmem>>, vector<16xf32>,
    %swap3A_45 = vector.shape_cast %swap3A_44 : vector<16xf32> to vector<16xf32>
    %swap3A_46 = vector.shape_cast %broadcast_in_dim3A_42 : vector<16xf32> to vector<16xf32>
    tpu.vector_store %arg6[%swap3A_43], %swap3A_46 {strides = array<i32>} : memref<128xf32, #tpu.memory_space<vmem>>, vector<16xf32>,
    %mul3A_47 = arith.constant 6272 : i32
    %mul3A_48 = arith.muli %arg1, %mul3A_47 : i32
    "tpu.region"() ({
      %run_scoped3A = tpu.sem_alloc : memref<!tpu.dma_semaphore, #tpu.memory_space<semaphore_mem>>
      %dma_start3A_155 = tpu.memref_slice %arg7[%mul3A_48] : memref<100352xf32, #tpu.memory_space<vmem_shared>> -> memref<6272xf32, #tpu.memory_space<vmem_shared>>
      %dma_start3A_156 = tpu.memref_slice %arg3[%mul3A_48] : memref<100352xf32, #tpu.memory_space<hbm>> -> memref<6272xf32, #tpu.memory_space<hbm>>
      tpu.enqueue_dma source(%dma_start3A_156 : memref<6272xf32, #tpu.memory_space<hbm>>) target(%dma_start3A_155 : memref<6272xf32, #tpu.memory_space<vmem_shared>>) target_semaphore(%run_scoped3A : memref<!tpu.dma_semaphore, #tpu.memory_space<semaphore_mem>>)
      %dma_wait3A_157 = tpu.memref_slice %arg7[%mul3A_48] : memref<100352xf32, #tpu.memory_space<vmem_shared>> -> memref<6272xf32, #tpu.memory_space<vmem_shared>>
      %dma_wait3A_158 = tpu.memref_slice %arg3[%mul3A_48] : memref<100352xf32, #tpu.memory_space<hbm>> -> memref<6272xf32, #tpu.memory_space<hbm>>
      tpu.wait_dma2 semaphore(%run_scoped3A : memref<!tpu.dma_semaphore, #tpu.memory_space<semaphore_mem>>) src(%dma_wait3A_158 : memref<6272xf32, #tpu.memory_space<hbm>>) dst(%dma_wait3A_157 : memref<6272xf32, #tpu.memory_space<vmem_shared>>)
      tpu.yield
    }) : () -> ()
    %barrier3A = arith.constant 0 : index
    tpu.barrier barrier_id(%barrier3A)
    %mul3A_49 = arith.constant 396 : i32
    %mul3A_50 = arith.muli %add3A, %mul3A_49 : i32
    %dma_start3A = arith.constant 0 : i32
    %dma_start3A_51 = arith.constant 0 : i32
    %dma_start3A_52 = arith.constant 0 : i32
    %dma_start3A_53 = tpu.memref_slice %arg5[%dma_start3A, %dma_start3A_51, %dma_start3A_52] : memref<3x4x128xi32, #tpu.memory_space<vmem>> -> memref<1x4x128xi32, #tpu.memory_space<vmem>>
    %dma_start3A_54 = tpu.memref_squeeze %dma_start3A_53 : memref<1x4x128xi32, #tpu.memory_space<vmem>> -> memref<4x128xi32, #tpu.memory_space<vmem>>
    %dma_start3A_55 = arith.constant 0 : i32
    %dma_start3A_56 = tpu.memref_slice %arg2[%mul3A_50, %dma_start3A_55] : memref<12672x128xi32, #tpu.memory_space<hbm>> -> memref<4x128xi32, #tpu.memory_space<hbm>>
    %dma_start3A_57 = arith.constant 0 : i32
    %dma_start3A_58 = arith.constant 0 : i32
    %dma_start3A_59 = tpu.memref_slice %arg5[%dma_start3A, %dma_start3A_57, %dma_start3A_58] : memref<3x4x128xi32, #tpu.memory_space<vmem>> -> memref<1x4x128xi32, #tpu.memory_space<vmem>>
    %dma_start3A_60 = tpu.memref_squeeze %dma_start3A_59 : memref<1x4x128xi32, #tpu.memory_space<vmem>> -> memref<4x128xi32, #tpu.memory_space<vmem>>
    %dma_start3A_61 = arith.constant 0 : i32
    %dma_start3A_62 = tpu.memref_slice %arg2[%mul3A_50, %dma_start3A_61] : memref<12672x128xi32, #tpu.memory_space<hbm>> -> memref<4x128xi32, #tpu.memory_space<hbm>>
    tpu.enqueue_dma source(%dma_start3A_62 : memref<4x128xi32, #tpu.memory_space<hbm>>) target(%dma_start3A_60 : memref<4x128xi32, #tpu.memory_space<vmem>>) target_semaphore(%arg8 : memref<!tpu.dma_semaphore, #tpu.memory_space<semaphore_mem>>)
    %scan3A = arith.constant 0 : i32
    %scan3A_63 = arith.constant 33 : i32
    %scan3A_64 = arith.addi %scan3A, %scan3A_63 : i32
    %scan3A_65 = arith.constant 1 : i32
    scf.for %scan3A_155 = %scan3A to %scan3A_64 step %scan3A_65  : i32 {
      %mul3A_156 = arith.constant 1 : i32
      %mul3A_157 = arith.muli %scan3A_155, %mul3A_156 : i32
      %add3A_158 = arith.constant 0 : i32
      %add3A_159 = arith.addi %add3A_158, %mul3A_157 : i32
      %mul3A_160 = arith.constant 3 : i32
      %mul3A_161 = arith.muli %mul3A_160, %add3A_159 : i32
      %add3A_162 = arith.constant 0 : i32
      %add3A_163 = arith.addi %mul3A_161, %add3A_162 : i32
      %gt3A = arith.constant 0 : i32
      %gt3A_164 = arith.cmpi sgt, %add3A_159, %gt3A : i32
      %convert_element_type3A = arith.extui %gt3A_164 : i1 to i32
      %cond3A = arith.constant 0 : i32
      %cond3A_165 = arith.cmpi ne, %convert_element_type3A, %cond3A : i32
      scf.if %cond3A_165 {
        %dma_wait3A_443 = arith.constant 1 : i32
        %dma_wait3A_444 = arith.constant 0 : i32
        %dma_wait3A_445 = arith.constant 0 : i32
        %dma_wait3A_446 = arith.constant 0 : i32
        %dma_wait3A_447 = tpu.memref_slice %arg5[%dma_wait3A_443, %dma_wait3A_445, %dma_wait3A_446] : memref<3x4x128xi32, #tpu.memory_space<vmem>> -> memref<1x4x128xi32, #tpu.memory_space<vmem>>
        %dma_wait3A_448 = tpu.memref_squeeze %dma_wait3A_447 : memref<1x4x128xi32, #tpu.memory_space<vmem>> -> memref<4x128xi32, #tpu.memory_space<vmem>>
        %dma_wait3A_449 = arith.constant 0 : i32
        %dma_wait3A_450 = tpu.memref_slice %dma_wait3A_448[%dma_wait3A_444, %dma_wait3A_449] : memref<4x128xi32, #tpu.memory_space<vmem>> -> memref<1x128xi32, #tpu.memory_space<vmem>>
        %dma_wait3A_451 = tpu.memref_squeeze %dma_wait3A_450 : memref<1x128xi32, #tpu.memory_space<vmem>> -> memref<128xi32, #tpu.memory_space<vmem>>
        %dma_wait3A_452 = arith.constant 0 : i32
        %dma_wait3A_453 = tpu.memref_slice %arg7[%dma_wait3A_452] : memref<100352xf32, #tpu.memory_space<vmem_shared>> -> memref<100352xf32, #tpu.memory_space<vmem_shared>>
        tpu.wait_indirect_dma semaphore(%arg10 : memref<!tpu.dma_semaphore, #tpu.memory_space<semaphore_mem>>) src(%arg6 : memref<128xf32, #tpu.memory_space<vmem>>) dst(%dma_wait3A_453 : memref<100352xf32, #tpu.memory_space<vmem_shared>>)
        %dma_wait3A_454 = arith.constant 1 : i32
        %dma_wait3A_455 = arith.constant 1 : i32
        %dma_wait3A_456 = arith.constant 0 : i32
        %dma_wait3A_457 = arith.constant 0 : i32
        %dma_wait3A_458 = tpu.memref_slice %arg5[%dma_wait3A_454, %dma_wait3A_456, %dma_wait3A_457] : memref<3x4x128xi32, #tpu.memory_space<vmem>> -> memref<1x4x128xi32, #tpu.memory_space<vmem>>
        %dma_wait3A_459 = tpu.memref_squeeze %dma_wait3A_458 : memref<1x4x128xi32, #tpu.memory_space<vmem>> -> memref<4x128xi32, #tpu.memory_space<vmem>>
        %dma_wait3A_460 = arith.constant 0 : i32
        %dma_wait3A_461 = tpu.memref_slice %dma_wait3A_459[%dma_wait3A_455, %dma_wait3A_460] : memref<4x128xi32, #tpu.memory_space<vmem>> -> memref<1x128xi32, #tpu.memory_space<vmem>>
        %dma_wait3A_462 = tpu.memref_squeeze %dma_wait3A_461 : memref<1x128xi32, #tpu.memory_space<vmem>> -> memref<128xi32, #tpu.memory_space<vmem>>
        %dma_wait3A_463 = arith.constant 0 : i32
        %dma_wait3A_464 = tpu.memref_slice %arg7[%dma_wait3A_463] : memref<100352xf32, #tpu.memory_space<vmem_shared>> -> memref<100352xf32, #tpu.memory_space<vmem_shared>>
        tpu.wait_indirect_dma semaphore(%arg10 : memref<!tpu.dma_semaphore, #tpu.memory_space<semaphore_mem>>) src(%arg6 : memref<128xf32, #tpu.memory_space<vmem>>) dst(%dma_wait3A_464 : memref<100352xf32, #tpu.memory_space<vmem_shared>>)
        %dma_wait3A_465 = arith.constant 1 : i32
        %dma_wait3A_466 = arith.constant 2 : i32
        %dma_wait3A_467 = arith.constant 0 : i32
        %dma_wait3A_468 = arith.constant 0 : i32
        %dma_wait3A_469 = tpu.memref_slice %arg5[%dma_wait3A_465, %dma_wait3A_467, %dma_wait3A_468] : memref<3x4x128xi32, #tpu.memory_space<vmem>> -> memref<1x4x128xi32, #tpu.memory_space<vmem>>
        %dma_wait3A_470 = tpu.memref_squeeze %dma_wait3A_469 : memref<1x4x128xi32, #tpu.memory_space<vmem>> -> memref<4x128xi32, #tpu.memory_space<vmem>>
        %dma_wait3A_471 = arith.constant 0 : i32
        %dma_wait3A_472 = tpu.memref_slice %dma_wait3A_470[%dma_wait3A_466, %dma_wait3A_471] : memref<4x128xi32, #tpu.memory_space<vmem>> -> memref<1x128xi32, #tpu.memory_space<vmem>>
        %dma_wait3A_473 = tpu.memref_squeeze %dma_wait3A_472 : memref<1x128xi32, #tpu.memory_space<vmem>> -> memref<128xi32, #tpu.memory_space<vmem>>
        %dma_wait3A_474 = arith.constant 0 : i32
        %dma_wait3A_475 = tpu.memref_slice %arg7[%dma_wait3A_474] : memref<100352xf32, #tpu.memory_space<vmem_shared>> -> memref<100352xf32, #tpu.memory_space<vmem_shared>>
        tpu.wait_indirect_dma semaphore(%arg10 : memref<!tpu.dma_semaphore, #tpu.memory_space<semaphore_mem>>) src(%arg6 : memref<128xf32, #tpu.memory_space<vmem>>) dst(%dma_wait3A_475 : memref<100352xf32, #tpu.memory_space<vmem_shared>>)
        %dma_wait3A_476 = arith.constant 1 : i32
        %dma_wait3A_477 = arith.constant 3 : i32
        %dma_wait3A_478 = arith.constant 0 : i32
        %dma_wait3A_479 = arith.constant 0 : i32
        %dma_wait3A_480 = tpu.memref_slice %arg5[%dma_wait3A_476, %dma_wait3A_478, %dma_wait3A_479] : memref<3x4x128xi32, #tpu.memory_space<vmem>> -> memref<1x4x128xi32, #tpu.memory_space<vmem>>
        %dma_wait3A_481 = tpu.memref_squeeze %dma_wait3A_480 : memref<1x4x128xi32, #tpu.memory_space<vmem>> -> memref<4x128xi32, #tpu.memory_space<vmem>>
        %dma_wait3A_482 = arith.constant 0 : i32
        %dma_wait3A_483 = tpu.memref_slice %dma_wait3A_481[%dma_wait3A_477, %dma_wait3A_482] : memref<4x128xi32, #tpu.memory_space<vmem>> -> memref<1x128xi32, #tpu.memory_space<vmem>>
        %dma_wait3A_484 = tpu.memref_squeeze %dma_wait3A_483 : memref<1x128xi32, #tpu.memory_space<vmem>> -> memref<128xi32, #tpu.memory_space<vmem>>
        %dma_wait3A_485 = arith.constant 0 : i32
        %dma_wait3A_486 = tpu.memref_slice %arg7[%dma_wait3A_485] : memref<100352xf32, #tpu.memory_space<vmem_shared>> -> memref<100352xf32, #tpu.memory_space<vmem_shared>>
        tpu.wait_indirect_dma semaphore(%arg10 : memref<!tpu.dma_semaphore, #tpu.memory_space<semaphore_mem>>) src(%arg6 : memref<128xf32, #tpu.memory_space<vmem>>) dst(%dma_wait3A_486 : memref<100352xf32, #tpu.memory_space<vmem_shared>>)
      } else {
      }
      %mul3A_166 = arith.constant 4 : i32
      %mul3A_167 = arith.muli %add3A_163, %mul3A_166 : i32
      %add3A_168 = arith.addi %mul3A_50, %mul3A_167 : i32
      %dma_wait3A_169 = arith.constant 0 : i32
      %dma_wait3A_170 = arith.constant 0 : i32
      %dma_wait3A_171 = arith.constant 0 : i32
      %dma_wait3A_172 = tpu.memref_slice %arg5[%dma_wait3A_169, %dma_wait3A_170, %dma_wait3A_171] : memref<3x4x128xi32, #tpu.memory_space<vmem>> -> memref<1x4x128xi32, #tpu.memory_space<vmem>>
      %dma_wait3A_173 = tpu.memref_squeeze %dma_wait3A_172 : memref<1x4x128xi32, #tpu.memory_space<vmem>> -> memref<4x128xi32, #tpu.memory_space<vmem>>
      %dma_wait3A_174 = arith.constant 0 : i32
      %dma_wait3A_175 = tpu.memref_slice %arg2[%add3A_168, %dma_wait3A_174] : memref<12672x128xi32, #tpu.memory_space<hbm>> -> memref<4x128xi32, #tpu.memory_space<hbm>>
      %dma_wait3A_176 = arith.constant 0 : i32
      %dma_wait3A_177 = arith.constant 0 : i32
      %dma_wait3A_178 = tpu.memref_slice %arg5[%dma_wait3A_169, %dma_wait3A_176, %dma_wait3A_177] : memref<3x4x128xi32, #tpu.memory_space<vmem>> -> memref<1x4x128xi32, #tpu.memory_space<vmem>>
      %dma_wait3A_179 = tpu.memref_squeeze %dma_wait3A_178 : memref<1x4x128xi32, #tpu.memory_space<vmem>> -> memref<4x128xi32, #tpu.memory_space<vmem>>
      %dma_wait3A_180 = arith.constant 0 : i32
      %dma_wait3A_181 = tpu.memref_slice %arg2[%add3A_168, %dma_wait3A_180] : memref<12672x128xi32, #tpu.memory_space<hbm>> -> memref<4x128xi32, #tpu.memory_space<hbm>>
      tpu.wait_dma2 semaphore(%arg8 : memref<!tpu.dma_semaphore, #tpu.memory_space<semaphore_mem>>) src(%dma_wait3A_181 : memref<4x128xi32, #tpu.memory_space<hbm>>) dst(%dma_wait3A_179 : memref<4x128xi32, #tpu.memory_space<vmem>>)
      %add3A_182 = arith.constant 1 : i32
      %add3A_183 = arith.addi %add3A_163, %add3A_182 : i32
      %mul3A_184 = arith.constant 4 : i32
      %mul3A_185 = arith.muli %add3A_183, %mul3A_184 : i32
      %add3A_186 = arith.addi %mul3A_50, %mul3A_185 : i32
      %dma_start3A_187 = arith.constant 1 : i32
      %dma_start3A_188 = arith.constant 0 : i32
      %dma_start3A_189 = arith.constant 0 : i32
      %dma_start3A_190 = tpu.memref_slice %arg5[%dma_start3A_187, %dma_start3A_188, %dma_start3A_189] : memref<3x4x128xi32, #tpu.memory_space<vmem>> -> memref<1x4x128xi32, #tpu.memory_space<vmem>>
      %dma_start3A_191 = tpu.memref_squeeze %dma_start3A_190 : memref<1x4x128xi32, #tpu.memory_space<vmem>> -> memref<4x128xi32, #tpu.memory_space<vmem>>
      %dma_start3A_192 = arith.constant 0 : i32
      %dma_start3A_193 = tpu.memref_slice %arg2[%add3A_186, %dma_start3A_192] : memref<12672x128xi32, #tpu.memory_space<hbm>> -> memref<4x128xi32, #tpu.memory_space<hbm>>
      %dma_start3A_194 = arith.constant 0 : i32
      %dma_start3A_195 = arith.constant 0 : i32
      %dma_start3A_196 = tpu.memref_slice %arg5[%dma_start3A_187, %dma_start3A_194, %dma_start3A_195] : memref<3x4x128xi32, #tpu.memory_space<vmem>> -> memref<1x4x128xi32, #tpu.memory_space<vmem>>
      %dma_start3A_197 = tpu.memref_squeeze %dma_start3A_196 : memref<1x4x128xi32, #tpu.memory_space<vmem>> -> memref<4x128xi32, #tpu.memory_space<vmem>>
      %dma_start3A_198 = arith.constant 0 : i32
      %dma_start3A_199 = tpu.memref_slice %arg2[%add3A_186, %dma_start3A_198] : memref<12672x128xi32, #tpu.memory_space<hbm>> -> memref<4x128xi32, #tpu.memory_space<hbm>>
      tpu.enqueue_dma source(%dma_start3A_199 : memref<4x128xi32, #tpu.memory_space<hbm>>) target(%dma_start3A_197 : memref<4x128xi32, #tpu.memory_space<vmem>>) target_semaphore(%arg8 : memref<!tpu.dma_semaphore, #tpu.memory_space<semaphore_mem>>)
      %dma_start3A_200 = arith.constant 0 : i32
      %dma_start3A_201 = arith.constant 0 : i32
      %dma_start3A_202 = arith.constant 0 : i32
      %dma_start3A_203 = arith.constant 0 : i32
      %dma_start3A_204 = tpu.memref_slice %arg5[%dma_start3A_200, %dma_start3A_202, %dma_start3A_203] : memref<3x4x128xi32, #tpu.memory_space<vmem>> -> memref<1x4x128xi32, #tpu.memory_space<vmem>>
      %dma_start3A_205 = tpu.memref_squeeze %dma_start3A_204 : memref<1x4x128xi32, #tpu.memory_space<vmem>> -> memref<4x128xi32, #tpu.memory_space<vmem>>
      %dma_start3A_206 = arith.constant 0 : i32
      %dma_start3A_207 = tpu.memref_slice %dma_start3A_205[%dma_start3A_201, %dma_start3A_206] : memref<4x128xi32, #tpu.memory_space<vmem>> -> memref<1x128xi32, #tpu.memory_space<vmem>>
      %dma_start3A_208 = tpu.memref_squeeze %dma_start3A_207 : memref<1x128xi32, #tpu.memory_space<vmem>> -> memref<128xi32, #tpu.memory_space<vmem>>
      %dma_start3A_209 = arith.constant 0 : i32
      %dma_start3A_210 = tpu.memref_slice %arg7[%dma_start3A_209] : memref<100352xf32, #tpu.memory_space<vmem_shared>> -> memref<100352xf32, #tpu.memory_space<vmem_shared>>
      tpu.enqueue_indirect_dma source(%arg6 : memref<128xf32, #tpu.memory_space<vmem>>) target(%dma_start3A_210 : memref<100352xf32, #tpu.memory_space<vmem_shared>>) offsets(%dma_start3A_208 : memref<128xi32, #tpu.memory_space<vmem>>) semaphore(%arg9 : memref<!tpu.dma_semaphore, #tpu.memory_space<semaphore_mem>>) {add = true}
      %dma_start3A_211 = arith.constant 0 : i32
      %dma_start3A_212 = arith.constant 1 : i32
      %dma_start3A_213 = arith.constant 0 : i32
      %dma_start3A_214 = arith.constant 0 : i32
      %dma_start3A_215 = tpu.memref_slice %arg5[%dma_start3A_211, %dma_start3A_213, %dma_start3A_214] : memref<3x4x128xi32, #tpu.memory_space<vmem>> -> memref<1x4x128xi32, #tpu.memory_space<vmem>>
      %dma_start3A_216 = tpu.memref_squeeze %dma_start3A_215 : memref<1x4x128xi32, #tpu.memory_space<vmem>> -> memref<4x128xi32, #tpu.memory_space<vmem>>
      %dma_start3A_217 = arith.constant 0 : i32
      %dma_start3A_218 = tpu.memref_slice %dma_start3A_216[%dma_start3A_212, %dma_start3A_217] : memref<4x128xi32, #tpu.memory_space<vmem>> -> memref<1x128xi32, #tpu.memory_space<vmem>>
      %dma_start3A_219 = tpu.memref_squeeze %dma_start3A_218 : memref<1x128xi32, #tpu.memory_space<vmem>> -> memref<128xi32, #tpu.memory_space<vmem>>
      %dma_start3A_220 = arith.constant 0 : i32
      %dma_start3A_221 = tpu.memref_slice %arg7[%dma_start3A_220] : memref<100352xf32, #tpu.memory_space<vmem_shared>> -> memref<100352xf32, #tpu.memory_space<vmem_shared>>
      tpu.enqueue_indirect_dma source(%arg6 : memref<128xf32, #tpu.memory_space<vmem>>) target(%dma_start3A_221 : memref<100352xf32, #tpu.memory_space<vmem_shared>>) offsets(%dma_start3A_219 : memref<128xi32, #tpu.memory_space<vmem>>) semaphore(%arg9 : memref<!tpu.dma_semaphore, #tpu.memory_space<semaphore_mem>>) {add = true}
      %dma_start3A_222 = arith.constant 0 : i32
      %dma_start3A_223 = arith.constant 2 : i32
      %dma_start3A_224 = arith.constant 0 : i32
      %dma_start3A_225 = arith.constant 0 : i32
      %dma_start3A_226 = tpu.memref_slice %arg5[%dma_start3A_222, %dma_start3A_224, %dma_start3A_225] : memref<3x4x128xi32, #tpu.memory_space<vmem>> -> memref<1x4x128xi32, #tpu.memory_space<vmem>>
      %dma_start3A_227 = tpu.memref_squeeze %dma_start3A_226 : memref<1x4x128xi32, #tpu.memory_space<vmem>> -> memref<4x128xi32, #tpu.memory_space<vmem>>
      %dma_start3A_228 = arith.constant 0 : i32
      %dma_start3A_229 = tpu.memref_slice %dma_start3A_227[%dma_start3A_223, %dma_start3A_228] : memref<4x128xi32, #tpu.memory_space<vmem>> -> memref<1x128xi32, #tpu.memory_space<vmem>>
      %dma_start3A_230 = tpu.memref_squeeze %dma_start3A_229 : memref<1x128xi32, #tpu.memory_space<vmem>> -> memref<128xi32, #tpu.memory_space<vmem>>
      %dma_start3A_231 = arith.constant 0 : i32
      %dma_start3A_232 = tpu.memref_slice %arg7[%dma_start3A_231] : memref<100352xf32, #tpu.memory_space<vmem_shared>> -> memref<100352xf32, #tpu.memory_space<vmem_shared>>
      tpu.enqueue_indirect_dma source(%arg6 : memref<128xf32, #tpu.memory_space<vmem>>) target(%dma_start3A_232 : memref<100352xf32, #tpu.memory_space<vmem_shared>>) offsets(%dma_start3A_230 : memref<128xi32, #tpu.memory_space<vmem>>) semaphore(%arg9 : memref<!tpu.dma_semaphore, #tpu.memory_space<semaphore_mem>>) {add = true}
      %dma_start3A_233 = arith.constant 0 : i32
      %dma_start3A_234 = arith.constant 3 : i32
      %dma_start3A_235 = arith.constant 0 : i32
      %dma_start3A_236 = arith.constant 0 : i32
      %dma_start3A_237 = tpu.memref_slice %arg5[%dma_start3A_233, %dma_start3A_235, %dma_start3A_236] : memref<3x4x128xi32, #tpu.memory_space<vmem>> -> memref<1x4x128xi32, #tpu.memory_space<vmem>>
      %dma_start3A_238 = tpu.memref_squeeze %dma_start3A_237 : memref<1x4x128xi32, #tpu.memory_space<vmem>> -> memref<4x128xi32, #tpu.memory_space<vmem>>
      %dma_start3A_239 = arith.constant 0 : i32
      %dma_start3A_240 = tpu.memref_slice %dma_start3A_238[%dma_start3A_234, %dma_start3A_239] : memref<4x128xi32, #tpu.memory_space<vmem>> -> memref<1x128xi32, #tpu.memory_space<vmem>>
      %dma_start3A_241 = tpu.memref_squeeze %dma_start3A_240 : memref<1x128xi32, #tpu.memory_space<vmem>> -> memref<128xi32, #tpu.memory_space<vmem>>
      %dma_start3A_242 = arith.constant 0 : i32
      %dma_start3A_243 = tpu.memref_slice %arg7[%dma_start3A_242] : memref<100352xf32, #tpu.memory_space<vmem_shared>> -> memref<100352xf32, #tpu.memory_space<vmem_shared>>
      tpu.enqueue_indirect_dma source(%arg6 : memref<128xf32, #tpu.memory_space<vmem>>) target(%dma_start3A_243 : memref<100352xf32, #tpu.memory_space<vmem_shared>>) offsets(%dma_start3A_241 : memref<128xi32, #tpu.memory_space<vmem>>) semaphore(%arg9 : memref<!tpu.dma_semaphore, #tpu.memory_space<semaphore_mem>>) {add = true}
      %mul3A_244 = arith.constant 3 : i32
      %mul3A_245 = arith.muli %mul3A_244, %add3A_159 : i32
      %add3A_246 = arith.constant 1 : i32
      %add3A_247 = arith.addi %mul3A_245, %add3A_246 : i32
      %gt3A_248 = arith.constant 0 : i32
      %gt3A_249 = arith.cmpi sgt, %add3A_159, %gt3A_248 : i32
      %convert_element_type3A_250 = arith.extui %gt3A_249 : i1 to i32
      %cond3A_251 = arith.constant 0 : i32
      %cond3A_252 = arith.cmpi ne, %convert_element_type3A_250, %cond3A_251 : i32
      scf.if %cond3A_252 {
        %dma_wait3A_443 = arith.constant 2 : i32
        %dma_wait3A_444 = arith.constant 0 : i32
        %dma_wait3A_445 = arith.constant 0 : i32
        %dma_wait3A_446 = arith.constant 0 : i32
        %dma_wait3A_447 = tpu.memref_slice %arg5[%dma_wait3A_443, %dma_wait3A_445, %dma_wait3A_446] : memref<3x4x128xi32, #tpu.memory_space<vmem>> -> memref<1x4x128xi32, #tpu.memory_space<vmem>>
        %dma_wait3A_448 = tpu.memref_squeeze %dma_wait3A_447 : memref<1x4x128xi32, #tpu.memory_space<vmem>> -> memref<4x128xi32, #tpu.memory_space<vmem>>
        %dma_wait3A_449 = arith.constant 0 : i32
        %dma_wait3A_450 = tpu.memref_slice %dma_wait3A_448[%dma_wait3A_444, %dma_wait3A_449] : memref<4x128xi32, #tpu.memory_space<vmem>> -> memref<1x128xi32, #tpu.memory_space<vmem>>
        %dma_wait3A_451 = tpu.memref_squeeze %dma_wait3A_450 : memref<1x128xi32, #tpu.memory_space<vmem>> -> memref<128xi32, #tpu.memory_space<vmem>>
        %dma_wait3A_452 = arith.constant 0 : i32
        %dma_wait3A_453 = tpu.memref_slice %arg7[%dma_wait3A_452] : memref<100352xf32, #tpu.memory_space<vmem_shared>> -> memref<100352xf32, #tpu.memory_space<vmem_shared>>
        tpu.wait_indirect_dma semaphore(%arg11 : memref<!tpu.dma_semaphore, #tpu.memory_space<semaphore_mem>>) src(%arg6 : memref<128xf32, #tpu.memory_space<vmem>>) dst(%dma_wait3A_453 : memref<100352xf32, #tpu.memory_space<vmem_shared>>)
        %dma_wait3A_454 = arith.constant 2 : i32
        %dma_wait3A_455 = arith.constant 1 : i32
        %dma_wait3A_456 = arith.constant 0 : i32
        %dma_wait3A_457 = arith.constant 0 : i32
        %dma_wait3A_458 = tpu.memref_slice %arg5[%dma_wait3A_454, %dma_wait3A_456, %dma_wait3A_457] : memref<3x4x128xi32, #tpu.memory_space<vmem>> -> memref<1x4x128xi32, #tpu.memory_space<vmem>>
        %dma_wait3A_459 = tpu.memref_squeeze %dma_wait3A_458 : memref<1x4x128xi32, #tpu.memory_space<vmem>> -> memref<4x128xi32, #tpu.memory_space<vmem>>
        %dma_wait3A_460 = arith.constant 0 : i32
        %dma_wait3A_461 = tpu.memref_slice %dma_wait3A_459[%dma_wait3A_455, %dma_wait3A_460] : memref<4x128xi32, #tpu.memory_space<vmem>> -> memref<1x128xi32, #tpu.memory_space<vmem>>
        %dma_wait3A_462 = tpu.memref_squeeze %dma_wait3A_461 : memref<1x128xi32, #tpu.memory_space<vmem>> -> memref<128xi32, #tpu.memory_space<vmem>>
        %dma_wait3A_463 = arith.constant 0 : i32
        %dma_wait3A_464 = tpu.memref_slice %arg7[%dma_wait3A_463] : memref<100352xf32, #tpu.memory_space<vmem_shared>> -> memref<100352xf32, #tpu.memory_space<vmem_shared>>
        tpu.wait_indirect_dma semaphore(%arg11 : memref<!tpu.dma_semaphore, #tpu.memory_space<semaphore_mem>>) src(%arg6 : memref<128xf32, #tpu.memory_space<vmem>>) dst(%dma_wait3A_464 : memref<100352xf32, #tpu.memory_space<vmem_shared>>)
        %dma_wait3A_465 = arith.constant 2 : i32
        %dma_wait3A_466 = arith.constant 2 : i32
        %dma_wait3A_467 = arith.constant 0 : i32
        %dma_wait3A_468 = arith.constant 0 : i32
        %dma_wait3A_469 = tpu.memref_slice %arg5[%dma_wait3A_465, %dma_wait3A_467, %dma_wait3A_468] : memref<3x4x128xi32, #tpu.memory_space<vmem>> -> memref<1x4x128xi32, #tpu.memory_space<vmem>>
        %dma_wait3A_470 = tpu.memref_squeeze %dma_wait3A_469 : memref<1x4x128xi32, #tpu.memory_space<vmem>> -> memref<4x128xi32, #tpu.memory_space<vmem>>
        %dma_wait3A_471 = arith.constant 0 : i32
        %dma_wait3A_472 = tpu.memref_slice %dma_wait3A_470[%dma_wait3A_466, %dma_wait3A_471] : memref<4x128xi32, #tpu.memory_space<vmem>> -> memref<1x128xi32, #tpu.memory_space<vmem>>
        %dma_wait3A_473 = tpu.memref_squeeze %dma_wait3A_472 : memref<1x128xi32, #tpu.memory_space<vmem>> -> memref<128xi32, #tpu.memory_space<vmem>>
        %dma_wait3A_474 = arith.constant 0 : i32
        %dma_wait3A_475 = tpu.memref_slice %arg7[%dma_wait3A_474] : memref<100352xf32, #tpu.memory_space<vmem_shared>> -> memref<100352xf32, #tpu.memory_space<vmem_shared>>
        tpu.wait_indirect_dma semaphore(%arg11 : memref<!tpu.dma_semaphore, #tpu.memory_space<semaphore_mem>>) src(%arg6 : memref<128xf32, #tpu.memory_space<vmem>>) dst(%dma_wait3A_475 : memref<100352xf32, #tpu.memory_space<vmem_shared>>)
        %dma_wait3A_476 = arith.constant 2 : i32
        %dma_wait3A_477 = arith.constant 3 : i32
        %dma_wait3A_478 = arith.constant 0 : i32
        %dma_wait3A_479 = arith.constant 0 : i32
        %dma_wait3A_480 = tpu.memref_slice %arg5[%dma_wait3A_476, %dma_wait3A_478, %dma_wait3A_479] : memref<3x4x128xi32, #tpu.memory_space<vmem>> -> memref<1x4x128xi32, #tpu.memory_space<vmem>>
        %dma_wait3A_481 = tpu.memref_squeeze %dma_wait3A_480 : memref<1x4x128xi32, #tpu.memory_space<vmem>> -> memref<4x128xi32, #tpu.memory_space<vmem>>
        %dma_wait3A_482 = arith.constant 0 : i32
        %dma_wait3A_483 = tpu.memref_slice %dma_wait3A_481[%dma_wait3A_477, %dma_wait3A_482] : memref<4x128xi32, #tpu.memory_space<vmem>> -> memref<1x128xi32, #tpu.memory_space<vmem>>
        %dma_wait3A_484 = tpu.memref_squeeze %dma_wait3A_483 : memref<1x128xi32, #tpu.memory_space<vmem>> -> memref<128xi32, #tpu.memory_space<vmem>>
        %dma_wait3A_485 = arith.constant 0 : i32
        %dma_wait3A_486 = tpu.memref_slice %arg7[%dma_wait3A_485] : memref<100352xf32, #tpu.memory_space<vmem_shared>> -> memref<100352xf32, #tpu.memory_space<vmem_shared>>
        tpu.wait_indirect_dma semaphore(%arg11 : memref<!tpu.dma_semaphore, #tpu.memory_space<semaphore_mem>>) src(%arg6 : memref<128xf32, #tpu.memory_space<vmem>>) dst(%dma_wait3A_486 : memref<100352xf32, #tpu.memory_space<vmem_shared>>)
      } else {
      }
      %mul3A_253 = arith.constant 4 : i32
      %mul3A_254 = arith.muli %add3A_247, %mul3A_253 : i32
      %add3A_255 = arith.addi %mul3A_50, %mul3A_254 : i32
      %dma_wait3A_256 = arith.constant 1 : i32
      %dma_wait3A_257 = arith.constant 0 : i32
      %dma_wait3A_258 = arith.constant 0 : i32
      %dma_wait3A_259 = tpu.memref_slice %arg5[%dma_wait3A_256, %dma_wait3A_257, %dma_wait3A_258] : memref<3x4x128xi32, #tpu.memory_space<vmem>> -> memref<1x4x128xi32, #tpu.memory_space<vmem>>
      %dma_wait3A_260 = tpu.memref_squeeze %dma_wait3A_259 : memref<1x4x128xi32, #tpu.memory_space<vmem>> -> memref<4x128xi32, #tpu.memory_space<vmem>>
      %dma_wait3A_261 = arith.constant 0 : i32
      %dma_wait3A_262 = tpu.memref_slice %arg2[%add3A_255, %dma_wait3A_261] : memref<12672x128xi32, #tpu.memory_space<hbm>> -> memref<4x128xi32, #tpu.memory_space<hbm>>
      %dma_wait3A_263 = arith.constant 0 : i32
      %dma_wait3A_264 = arith.constant 0 : i32
      %dma_wait3A_265 = tpu.memref_slice %arg5[%dma_wait3A_256, %dma_wait3A_263, %dma_wait3A_264] : memref<3x4x128xi32, #tpu.memory_space<vmem>> -> memref<1x4x128xi32, #tpu.memory_space<vmem>>
      %dma_wait3A_266 = tpu.memref_squeeze %dma_wait3A_265 : memref<1x4x128xi32, #tpu.memory_space<vmem>> -> memref<4x128xi32, #tpu.memory_space<vmem>>
      %dma_wait3A_267 = arith.constant 0 : i32
      %dma_wait3A_268 = tpu.memref_slice %arg2[%add3A_255, %dma_wait3A_267] : memref<12672x128xi32, #tpu.memory_space<hbm>> -> memref<4x128xi32, #tpu.memory_space<hbm>>
      tpu.wait_dma2 semaphore(%arg8 : memref<!tpu.dma_semaphore, #tpu.memory_space<semaphore_mem>>) src(%dma_wait3A_268 : memref<4x128xi32, #tpu.memory_space<hbm>>) dst(%dma_wait3A_266 : memref<4x128xi32, #tpu.memory_space<vmem>>)
      %add3A_269 = arith.constant 1 : i32
      %add3A_270 = arith.addi %add3A_247, %add3A_269 : i32
      %mul3A_271 = arith.constant 4 : i32
      %mul3A_272 = arith.muli %add3A_270, %mul3A_271 : i32
      %add3A_273 = arith.addi %mul3A_50, %mul3A_272 : i32
      %dma_start3A_274 = arith.constant 2 : i32
      %dma_start3A_275 = arith.constant 0 : i32
      %dma_start3A_276 = arith.constant 0 : i32
      %dma_start3A_277 = tpu.memref_slice %arg5[%dma_start3A_274, %dma_start3A_275, %dma_start3A_276] : memref<3x4x128xi32, #tpu.memory_space<vmem>> -> memref<1x4x128xi32, #tpu.memory_space<vmem>>
      %dma_start3A_278 = tpu.memref_squeeze %dma_start3A_277 : memref<1x4x128xi32, #tpu.memory_space<vmem>> -> memref<4x128xi32, #tpu.memory_space<vmem>>
      %dma_start3A_279 = arith.constant 0 : i32
      %dma_start3A_280 = tpu.memref_slice %arg2[%add3A_273, %dma_start3A_279] : memref<12672x128xi32, #tpu.memory_space<hbm>> -> memref<4x128xi32, #tpu.memory_space<hbm>>
      %dma_start3A_281 = arith.constant 0 : i32
      %dma_start3A_282 = arith.constant 0 : i32
      %dma_start3A_283 = tpu.memref_slice %arg5[%dma_start3A_274, %dma_start3A_281, %dma_start3A_282] : memref<3x4x128xi32, #tpu.memory_space<vmem>> -> memref<1x4x128xi32, #tpu.memory_space<vmem>>
      %dma_start3A_284 = tpu.memref_squeeze %dma_start3A_283 : memref<1x4x128xi32, #tpu.memory_space<vmem>> -> memref<4x128xi32, #tpu.memory_space<vmem>>
      %dma_start3A_285 = arith.constant 0 : i32
      %dma_start3A_286 = tpu.memref_slice %arg2[%add3A_273, %dma_start3A_285] : memref<12672x128xi32, #tpu.memory_space<hbm>> -> memref<4x128xi32, #tpu.memory_space<hbm>>
      tpu.enqueue_dma source(%dma_start3A_286 : memref<4x128xi32, #tpu.memory_space<hbm>>) target(%dma_start3A_284 : memref<4x128xi32, #tpu.memory_space<vmem>>) target_semaphore(%arg8 : memref<!tpu.dma_semaphore, #tpu.memory_space<semaphore_mem>>)
      %dma_start3A_287 = arith.constant 1 : i32
      %dma_start3A_288 = arith.constant 0 : i32
      %dma_start3A_289 = arith.constant 0 : i32
      %dma_start3A_290 = arith.constant 0 : i32
      %dma_start3A_291 = tpu.memref_slice %arg5[%dma_start3A_287, %dma_start3A_289, %dma_start3A_290] : memref<3x4x128xi32, #tpu.memory_space<vmem>> -> memref<1x4x128xi32, #tpu.memory_space<vmem>>
      %dma_start3A_292 = tpu.memref_squeeze %dma_start3A_291 : memref<1x4x128xi32, #tpu.memory_space<vmem>> -> memref<4x128xi32, #tpu.memory_space<vmem>>
      %dma_start3A_293 = arith.constant 0 : i32
      %dma_start3A_294 = tpu.memref_slice %dma_start3A_292[%dma_start3A_288, %dma_start3A_293] : memref<4x128xi32, #tpu.memory_space<vmem>> -> memref<1x128xi32, #tpu.memory_space<vmem>>
      %dma_start3A_295 = tpu.memref_squeeze %dma_start3A_294 : memref<1x128xi32, #tpu.memory_space<vmem>> -> memref<128xi32, #tpu.memory_space<vmem>>
      %dma_start3A_296 = arith.constant 0 : i32
      %dma_start3A_297 = tpu.memref_slice %arg7[%dma_start3A_296] : memref<100352xf32, #tpu.memory_space<vmem_shared>> -> memref<100352xf32, #tpu.memory_space<vmem_shared>>
      tpu.enqueue_indirect_dma source(%arg6 : memref<128xf32, #tpu.memory_space<vmem>>) target(%dma_start3A_297 : memref<100352xf32, #tpu.memory_space<vmem_shared>>) offsets(%dma_start3A_295 : memref<128xi32, #tpu.memory_space<vmem>>) semaphore(%arg10 : memref<!tpu.dma_semaphore, #tpu.memory_space<semaphore_mem>>) {add = true}
      %dma_start3A_298 = arith.constant 1 : i32
      %dma_start3A_299 = arith.constant 1 : i32
      %dma_start3A_300 = arith.constant 0 : i32
      %dma_start3A_301 = arith.constant 0 : i32
      %dma_start3A_302 = tpu.memref_slice %arg5[%dma_start3A_298, %dma_start3A_300, %dma_start3A_301] : memref<3x4x128xi32, #tpu.memory_space<vmem>> -> memref<1x4x128xi32, #tpu.memory_space<vmem>>
      %dma_start3A_303 = tpu.memref_squeeze %dma_start3A_302 : memref<1x4x128xi32, #tpu.memory_space<vmem>> -> memref<4x128xi32, #tpu.memory_space<vmem>>
      %dma_start3A_304 = arith.constant 0 : i32
      %dma_start3A_305 = tpu.memref_slice %dma_start3A_303[%dma_start3A_299, %dma_start3A_304] : memref<4x128xi32, #tpu.memory_space<vmem>> -> memref<1x128xi32, #tpu.memory_space<vmem>>
      %dma_start3A_306 = tpu.memref_squeeze %dma_start3A_305 : memref<1x128xi32, #tpu.memory_space<vmem>> -> memref<128xi32, #tpu.memory_space<vmem>>
      %dma_start3A_307 = arith.constant 0 : i32
      %dma_start3A_308 = tpu.memref_slice %arg7[%dma_start3A_307] : memref<100352xf32, #tpu.memory_space<vmem_shared>> -> memref<100352xf32, #tpu.memory_space<vmem_shared>>
      tpu.enqueue_indirect_dma source(%arg6 : memref<128xf32, #tpu.memory_space<vmem>>) target(%dma_start3A_308 : memref<100352xf32, #tpu.memory_space<vmem_shared>>) offsets(%dma_start3A_306 : memref<128xi32, #tpu.memory_space<vmem>>) semaphore(%arg10 : memref<!tpu.dma_semaphore, #tpu.memory_space<semaphore_mem>>) {add = true}
      %dma_start3A_309 = arith.constant 1 : i32
      %dma_start3A_310 = arith.constant 2 : i32
      %dma_start3A_311 = arith.constant 0 : i32
      %dma_start3A_312 = arith.constant 0 : i32
      %dma_start3A_313 = tpu.memref_slice %arg5[%dma_start3A_309, %dma_start3A_311, %dma_start3A_312] : memref<3x4x128xi32, #tpu.memory_space<vmem>> -> memref<1x4x128xi32, #tpu.memory_space<vmem>>
      %dma_start3A_314 = tpu.memref_squeeze %dma_start3A_313 : memref<1x4x128xi32, #tpu.memory_space<vmem>> -> memref<4x128xi32, #tpu.memory_space<vmem>>
      %dma_start3A_315 = arith.constant 0 : i32
      %dma_start3A_316 = tpu.memref_slice %dma_start3A_314[%dma_start3A_310, %dma_start3A_315] : memref<4x128xi32, #tpu.memory_space<vmem>> -> memref<1x128xi32, #tpu.memory_space<vmem>>
      %dma_start3A_317 = tpu.memref_squeeze %dma_start3A_316 : memref<1x128xi32, #tpu.memory_space<vmem>> -> memref<128xi32, #tpu.memory_space<vmem>>
      %dma_start3A_318 = arith.constant 0 : i32
      %dma_start3A_319 = tpu.memref_slice %arg7[%dma_start3A_318] : memref<100352xf32, #tpu.memory_space<vmem_shared>> -> memref<100352xf32, #tpu.memory_space<vmem_shared>>
      tpu.enqueue_indirect_dma source(%arg6 : memref<128xf32, #tpu.memory_space<vmem>>) target(%dma_start3A_319 : memref<100352xf32, #tpu.memory_space<vmem_shared>>) offsets(%dma_start3A_317 : memref<128xi32, #tpu.memory_space<vmem>>) semaphore(%arg10 : memref<!tpu.dma_semaphore, #tpu.memory_space<semaphore_mem>>) {add = true}
      %dma_start3A_320 = arith.constant 1 : i32
      %dma_start3A_321 = arith.constant 3 : i32
      %dma_start3A_322 = arith.constant 0 : i32
      %dma_start3A_323 = arith.constant 0 : i32
      %dma_start3A_324 = tpu.memref_slice %arg5[%dma_start3A_320, %dma_start3A_322, %dma_start3A_323] : memref<3x4x128xi32, #tpu.memory_space<vmem>> -> memref<1x4x128xi32, #tpu.memory_space<vmem>>
      %dma_start3A_325 = tpu.memref_squeeze %dma_start3A_324 : memref<1x4x128xi32, #tpu.memory_space<vmem>> -> memref<4x128xi32, #tpu.memory_space<vmem>>
      %dma_start3A_326 = arith.constant 0 : i32
      %dma_start3A_327 = tpu.memref_slice %dma_start3A_325[%dma_start3A_321, %dma_start3A_326] : memref<4x128xi32, #tpu.memory_space<vmem>> -> memref<1x128xi32, #tpu.memory_space<vmem>>
      %dma_start3A_328 = tpu.memref_squeeze %dma_start3A_327 : memref<1x128xi32, #tpu.memory_space<vmem>> -> memref<128xi32, #tpu.memory_space<vmem>>
      %dma_start3A_329 = arith.constant 0 : i32
      %dma_start3A_330 = tpu.memref_slice %arg7[%dma_start3A_329] : memref<100352xf32, #tpu.memory_space<vmem_shared>> -> memref<100352xf32, #tpu.memory_space<vmem_shared>>
      tpu.enqueue_indirect_dma source(%arg6 : memref<128xf32, #tpu.memory_space<vmem>>) target(%dma_start3A_330 : memref<100352xf32, #tpu.memory_space<vmem_shared>>) offsets(%dma_start3A_328 : memref<128xi32, #tpu.memory_space<vmem>>) semaphore(%arg10 : memref<!tpu.dma_semaphore, #tpu.memory_space<semaphore_mem>>) {add = true}
      %mul3A_331 = arith.constant 3 : i32
      %mul3A_332 = arith.muli %mul3A_331, %add3A_159 : i32
      %add3A_333 = arith.constant 2 : i32
      %add3A_334 = arith.addi %mul3A_332, %add3A_333 : i32
      %dma_wait3A_335 = arith.constant 0 : i32
      %dma_wait3A_336 = arith.constant 0 : i32
      %dma_wait3A_337 = arith.constant 0 : i32
      %dma_wait3A_338 = arith.constant 0 : i32
      %dma_wait3A_339 = tpu.memref_slice %arg5[%dma_wait3A_335, %dma_wait3A_337, %dma_wait3A_338] : memref<3x4x128xi32, #tpu.memory_space<vmem>> -> memref<1x4x128xi32, #tpu.memory_space<vmem>>
      %dma_wait3A_340 = tpu.memref_squeeze %dma_wait3A_339 : memref<1x4x128xi32, #tpu.memory_space<vmem>> -> memref<4x128xi32, #tpu.memory_space<vmem>>
      %dma_wait3A_341 = arith.constant 0 : i32
      %dma_wait3A_342 = tpu.memref_slice %dma_wait3A_340[%dma_wait3A_336, %dma_wait3A_341] : memref<4x128xi32, #tpu.memory_space<vmem>> -> memref<1x128xi32, #tpu.memory_space<vmem>>
      %dma_wait3A_343 = tpu.memref_squeeze %dma_wait3A_342 : memref<1x128xi32, #tpu.memory_space<vmem>> -> memref<128xi32, #tpu.memory_space<vmem>>
      %dma_wait3A_344 = arith.constant 0 : i32
      %dma_wait3A_345 = tpu.memref_slice %arg7[%dma_wait3A_344] : memref<100352xf32, #tpu.memory_space<vmem_shared>> -> memref<100352xf32, #tpu.memory_space<vmem_shared>>
      tpu.wait_indirect_dma semaphore(%arg9 : memref<!tpu.dma_semaphore, #tpu.memory_space<semaphore_mem>>) src(%arg6 : memref<128xf32, #tpu.memory_space<vmem>>) dst(%dma_wait3A_345 : memref<100352xf32, #tpu.memory_space<vmem_shared>>)
      %dma_wait3A_346 = arith.constant 0 : i32
      %dma_wait3A_347 = arith.constant 1 : i32
      %dma_wait3A_348 = arith.constant 0 : i32
      %dma_wait3A_349 = arith.constant 0 : i32
      %dma_wait3A_350 = tpu.memref_slice %arg5[%dma_wait3A_346, %dma_wait3A_348, %dma_wait3A_349] : memref<3x4x128xi32, #tpu.memory_space<vmem>> -> memref<1x4x128xi32, #tpu.memory_space<vmem>>
      %dma_wait3A_351 = tpu.memref_squeeze %dma_wait3A_350 : memref<1x4x128xi32, #tpu.memory_space<vmem>> -> memref<4x128xi32, #tpu.memory_space<vmem>>
      %dma_wait3A_352 = arith.constant 0 : i32
      %dma_wait3A_353 = tpu.memref_slice %dma_wait3A_351[%dma_wait3A_347, %dma_wait3A_352] : memref<4x128xi32, #tpu.memory_space<vmem>> -> memref<1x128xi32, #tpu.memory_space<vmem>>
      %dma_wait3A_354 = tpu.memref_squeeze %dma_wait3A_353 : memref<1x128xi32, #tpu.memory_space<vmem>> -> memref<128xi32, #tpu.memory_space<vmem>>
      %dma_wait3A_355 = arith.constant 0 : i32
      %dma_wait3A_356 = tpu.memref_slice %arg7[%dma_wait3A_355] : memref<100352xf32, #tpu.memory_space<vmem_shared>> -> memref<100352xf32, #tpu.memory_space<vmem_shared>>
      tpu.wait_indirect_dma semaphore(%arg9 : memref<!tpu.dma_semaphore, #tpu.memory_space<semaphore_mem>>) src(%arg6 : memref<128xf32, #tpu.memory_space<vmem>>) dst(%dma_wait3A_356 : memref<100352xf32, #tpu.memory_space<vmem_shared>>)
      %dma_wait3A_357 = arith.constant 0 : i32
      %dma_wait3A_358 = arith.constant 2 : i32
      %dma_wait3A_359 = arith.constant 0 : i32
      %dma_wait3A_360 = arith.constant 0 : i32
      %dma_wait3A_361 = tpu.memref_slice %arg5[%dma_wait3A_357, %dma_wait3A_359, %dma_wait3A_360] : memref<3x4x128xi32, #tpu.memory_space<vmem>> -> memref<1x4x128xi32, #tpu.memory_space<vmem>>
      %dma_wait3A_362 = tpu.memref_squeeze %dma_wait3A_361 : memref<1x4x128xi32, #tpu.memory_space<vmem>> -> memref<4x128xi32, #tpu.memory_space<vmem>>
      %dma_wait3A_363 = arith.constant 0 : i32
      %dma_wait3A_364 = tpu.memref_slice %dma_wait3A_362[%dma_wait3A_358, %dma_wait3A_363] : memref<4x128xi32, #tpu.memory_space<vmem>> -> memref<1x128xi32, #tpu.memory_space<vmem>>
      %dma_wait3A_365 = tpu.memref_squeeze %dma_wait3A_364 : memref<1x128xi32, #tpu.memory_space<vmem>> -> memref<128xi32, #tpu.memory_space<vmem>>
      %dma_wait3A_366 = arith.constant 0 : i32
      %dma_wait3A_367 = tpu.memref_slice %arg7[%dma_wait3A_366] : memref<100352xf32, #tpu.memory_space<vmem_shared>> -> memref<100352xf32, #tpu.memory_space<vmem_shared>>
      tpu.wait_indirect_dma semaphore(%arg9 : memref<!tpu.dma_semaphore, #tpu.memory_space<semaphore_mem>>) src(%arg6 : memref<128xf32, #tpu.memory_space<vmem>>) dst(%dma_wait3A_367 : memref<100352xf32, #tpu.memory_space<vmem_shared>>)
      %dma_wait3A_368 = arith.constant 0 : i32
      %dma_wait3A_369 = arith.constant 3 : i32
      %dma_wait3A_370 = arith.constant 0 : i32
      %dma_wait3A_371 = arith.constant 0 : i32
      %dma_wait3A_372 = tpu.memref_slice %arg5[%dma_wait3A_368, %dma_wait3A_370, %dma_wait3A_371] : memref<3x4x128xi32, #tpu.memory_space<vmem>> -> memref<1x4x128xi32, #tpu.memory_space<vmem>>
      %dma_wait3A_373 = tpu.memref_squeeze %dma_wait3A_372 : memref<1x4x128xi32, #tpu.memory_space<vmem>> -> memref<4x128xi32, #tpu.memory_space<vmem>>
      %dma_wait3A_374 = arith.constant 0 : i32
      %dma_wait3A_375 = tpu.memref_slice %dma_wait3A_373[%dma_wait3A_369, %dma_wait3A_374] : memref<4x128xi32, #tpu.memory_space<vmem>> -> memref<1x128xi32, #tpu.memory_space<vmem>>
      %dma_wait3A_376 = tpu.memref_squeeze %dma_wait3A_375 : memref<1x128xi32, #tpu.memory_space<vmem>> -> memref<128xi32, #tpu.memory_space<vmem>>
      %dma_wait3A_377 = arith.constant 0 : i32
      %dma_wait3A_378 = tpu.memref_slice %arg7[%dma_wait3A_377] : memref<100352xf32, #tpu.memory_space<vmem_shared>> -> memref<100352xf32, #tpu.memory_space<vmem_shared>>
      tpu.wait_indirect_dma semaphore(%arg9 : memref<!tpu.dma_semaphore, #tpu.memory_space<semaphore_mem>>) src(%arg6 : memref<128xf32, #tpu.memory_space<vmem>>) dst(%dma_wait3A_378 : memref<100352xf32, #tpu.memory_space<vmem_shared>>)
      %mul3A_379 = arith.constant 4 : i32
      %mul3A_380 = arith.muli %add3A_334, %mul3A_379 : i32
      %add3A_381 = arith.addi %mul3A_50, %mul3A_380 : i32
      %dma_wait3A_382 = arith.constant 2 : i32
      %dma_wait3A_383 = arith.constant 0 : i32
      %dma_wait3A_384 = arith.constant 0 : i32
      %dma_wait3A_385 = tpu.memref_slice %arg5[%dma_wait3A_382, %dma_wait3A_383, %dma_wait3A_384] : memref<3x4x128xi32, #tpu.memory_space<vmem>> -> memref<1x4x128xi32, #tpu.memory_space<vmem>>
      %dma_wait3A_386 = tpu.memref_squeeze %dma_wait3A_385 : memref<1x4x128xi32, #tpu.memory_space<vmem>> -> memref<4x128xi32, #tpu.memory_space<vmem>>
      %dma_wait3A_387 = arith.constant 0 : i32
      %dma_wait3A_388 = tpu.memref_slice %arg2[%add3A_381, %dma_wait3A_387] : memref<12672x128xi32, #tpu.memory_space<hbm>> -> memref<4x128xi32, #tpu.memory_space<hbm>>
      %dma_wait3A_389 = arith.constant 0 : i32
      %dma_wait3A_390 = arith.constant 0 : i32
      %dma_wait3A_391 = tpu.memref_slice %arg5[%dma_wait3A_382, %dma_wait3A_389, %dma_wait3A_390] : memref<3x4x128xi32, #tpu.memory_space<vmem>> -> memref<1x4x128xi32, #tpu.memory_space<vmem>>
      %dma_wait3A_392 = tpu.memref_squeeze %dma_wait3A_391 : memref<1x4x128xi32, #tpu.memory_space<vmem>> -> memref<4x128xi32, #tpu.memory_space<vmem>>
      %dma_wait3A_393 = arith.constant 0 : i32
      %dma_wait3A_394 = tpu.memref_slice %arg2[%add3A_381, %dma_wait3A_393] : memref<12672x128xi32, #tpu.memory_space<hbm>> -> memref<4x128xi32, #tpu.memory_space<hbm>>
      tpu.wait_dma2 semaphore(%arg8 : memref<!tpu.dma_semaphore, #tpu.memory_space<semaphore_mem>>) src(%dma_wait3A_394 : memref<4x128xi32, #tpu.memory_space<hbm>>) dst(%dma_wait3A_392 : memref<4x128xi32, #tpu.memory_space<vmem>>)
      %lt3A = arith.constant 32 : i32
      %lt3A_395 = arith.cmpi slt, %add3A_159, %lt3A : i32
      %convert_element_type3A_396 = arith.extui %lt3A_395 : i1 to i32
      %cond3A_397 = arith.constant 0 : i32
      %cond3A_398 = arith.cmpi ne, %convert_element_type3A_396, %cond3A_397 : i32
      scf.if %cond3A_398 {
        %add3A_443 = arith.constant 1 : i32
        %add3A_444 = arith.addi %add3A_334, %add3A_443 : i32
        %mul3A_445 = arith.constant 4 : i32
        %mul3A_446 = arith.muli %add3A_444, %mul3A_445 : i32
        %add3A_447 = arith.addi %mul3A_50, %mul3A_446 : i32
        %dma_start3A_448 = arith.constant 0 : i32
        %dma_start3A_449 = arith.constant 0 : i32
        %dma_start3A_450 = arith.constant 0 : i32
        %dma_start3A_451 = tpu.memref_slice %arg5[%dma_start3A_448, %dma_start3A_449, %dma_start3A_450] : memref<3x4x128xi32, #tpu.memory_space<vmem>> -> memref<1x4x128xi32, #tpu.memory_space<vmem>>
        %dma_start3A_452 = tpu.memref_squeeze %dma_start3A_451 : memref<1x4x128xi32, #tpu.memory_space<vmem>> -> memref<4x128xi32, #tpu.memory_space<vmem>>
        %dma_start3A_453 = arith.constant 0 : i32
        %dma_start3A_454 = tpu.memref_slice %arg2[%add3A_447, %dma_start3A_453] : memref<12672x128xi32, #tpu.memory_space<hbm>> -> memref<4x128xi32, #tpu.memory_space<hbm>>
        %dma_start3A_455 = arith.constant 0 : i32
        %dma_start3A_456 = arith.constant 0 : i32
        %dma_start3A_457 = tpu.memref_slice %arg5[%dma_start3A_448, %dma_start3A_455, %dma_start3A_456] : memref<3x4x128xi32, #tpu.memory_space<vmem>> -> memref<1x4x128xi32, #tpu.memory_space<vmem>>
        %dma_start3A_458 = tpu.memref_squeeze %dma_start3A_457 : memref<1x4x128xi32, #tpu.memory_space<vmem>> -> memref<4x128xi32, #tpu.memory_space<vmem>>
        %dma_start3A_459 = arith.constant 0 : i32
        %dma_start3A_460 = tpu.memref_slice %arg2[%add3A_447, %dma_start3A_459] : memref<12672x128xi32, #tpu.memory_space<hbm>> -> memref<4x128xi32, #tpu.memory_space<hbm>>
        tpu.enqueue_dma source(%dma_start3A_460 : memref<4x128xi32, #tpu.memory_space<hbm>>) target(%dma_start3A_458 : memref<4x128xi32, #tpu.memory_space<vmem>>) target_semaphore(%arg8 : memref<!tpu.dma_semaphore, #tpu.memory_space<semaphore_mem>>)
      } else {
      }
      %dma_start3A_399 = arith.constant 2 : i32
      %dma_start3A_400 = arith.constant 0 : i32
      %dma_start3A_401 = arith.constant 0 : i32
      %dma_start3A_402 = arith.constant 0 : i32
      %dma_start3A_403 = tpu.memref_slice %arg5[%dma_start3A_399, %dma_start3A_401, %dma_start3A_402] : memref<3x4x128xi32, #tpu.memory_space<vmem>> -> memref<1x4x128xi32, #tpu.memory_space<vmem>>
      %dma_start3A_404 = tpu.memref_squeeze %dma_start3A_403 : memref<1x4x128xi32, #tpu.memory_space<vmem>> -> memref<4x128xi32, #tpu.memory_space<vmem>>
      %dma_start3A_405 = arith.constant 0 : i32
      %dma_start3A_406 = tpu.memref_slice %dma_start3A_404[%dma_start3A_400, %dma_start3A_405] : memref<4x128xi32, #tpu.memory_space<vmem>> -> memref<1x128xi32, #tpu.memory_space<vmem>>
      %dma_start3A_407 = tpu.memref_squeeze %dma_start3A_406 : memref<1x128xi32, #tpu.memory_space<vmem>> -> memref<128xi32, #tpu.memory_space<vmem>>
      %dma_start3A_408 = arith.constant 0 : i32
      %dma_start3A_409 = tpu.memref_slice %arg7[%dma_start3A_408] : memref<100352xf32, #tpu.memory_space<vmem_shared>> -> memref<100352xf32, #tpu.memory_space<vmem_shared>>
      tpu.enqueue_indirect_dma source(%arg6 : memref<128xf32, #tpu.memory_space<vmem>>) target(%dma_start3A_409 : memref<100352xf32, #tpu.memory_space<vmem_shared>>) offsets(%dma_start3A_407 : memref<128xi32, #tpu.memory_space<vmem>>) semaphore(%arg11 : memref<!tpu.dma_semaphore, #tpu.memory_space<semaphore_mem>>) {add = true}
      %dma_start3A_410 = arith.constant 2 : i32
      %dma_start3A_411 = arith.constant 1 : i32
      %dma_start3A_412 = arith.constant 0 : i32
      %dma_start3A_413 = arith.constant 0 : i32
      %dma_start3A_414 = tpu.memref_slice %arg5[%dma_start3A_410, %dma_start3A_412, %dma_start3A_413] : memref<3x4x128xi32, #tpu.memory_space<vmem>> -> memref<1x4x128xi32, #tpu.memory_space<vmem>>
      %dma_start3A_415 = tpu.memref_squeeze %dma_start3A_414 : memref<1x4x128xi32, #tpu.memory_space<vmem>> -> memref<4x128xi32, #tpu.memory_space<vmem>>
      %dma_start3A_416 = arith.constant 0 : i32
      %dma_start3A_417 = tpu.memref_slice %dma_start3A_415[%dma_start3A_411, %dma_start3A_416] : memref<4x128xi32, #tpu.memory_space<vmem>> -> memref<1x128xi32, #tpu.memory_space<vmem>>
      %dma_start3A_418 = tpu.memref_squeeze %dma_start3A_417 : memref<1x128xi32, #tpu.memory_space<vmem>> -> memref<128xi32, #tpu.memory_space<vmem>>
      %dma_start3A_419 = arith.constant 0 : i32
      %dma_start3A_420 = tpu.memref_slice %arg7[%dma_start3A_419] : memref<100352xf32, #tpu.memory_space<vmem_shared>> -> memref<100352xf32, #tpu.memory_space<vmem_shared>>
      tpu.enqueue_indirect_dma source(%arg6 : memref<128xf32, #tpu.memory_space<vmem>>) target(%dma_start3A_420 : memref<100352xf32, #tpu.memory_space<vmem_shared>>) offsets(%dma_start3A_418 : memref<128xi32, #tpu.memory_space<vmem>>) semaphore(%arg11 : memref<!tpu.dma_semaphore, #tpu.memory_space<semaphore_mem>>) {add = true}
      %dma_start3A_421 = arith.constant 2 : i32
      %dma_start3A_422 = arith.constant 2 : i32
      %dma_start3A_423 = arith.constant 0 : i32
      %dma_start3A_424 = arith.constant 0 : i32
      %dma_start3A_425 = tpu.memref_slice %arg5[%dma_start3A_421, %dma_start3A_423, %dma_start3A_424] : memref<3x4x128xi32, #tpu.memory_space<vmem>> -> memref<1x4x128xi32, #tpu.memory_space<vmem>>
      %dma_start3A_426 = tpu.memref_squeeze %dma_start3A_425 : memref<1x4x128xi32, #tpu.memory_space<vmem>> -> memref<4x128xi32, #tpu.memory_space<vmem>>
      %dma_start3A_427 = arith.constant 0 : i32
      %dma_start3A_428 = tpu.memref_slice %dma_start3A_426[%dma_start3A_422, %dma_start3A_427] : memref<4x128xi32, #tpu.memory_space<vmem>> -> memref<1x128xi32, #tpu.memory_space<vmem>>
      %dma_start3A_429 = tpu.memref_squeeze %dma_start3A_428 : memref<1x128xi32, #tpu.memory_space<vmem>> -> memref<128xi32, #tpu.memory_space<vmem>>
      %dma_start3A_430 = arith.constant 0 : i32
      %dma_start3A_431 = tpu.memref_slice %arg7[%dma_start3A_430] : memref<100352xf32, #tpu.memory_space<vmem_shared>> -> memref<100352xf32, #tpu.memory_space<vmem_shared>>
      tpu.enqueue_indirect_dma source(%arg6 : memref<128xf32, #tpu.memory_space<vmem>>) target(%dma_start3A_431 : memref<100352xf32, #tpu.memory_space<vmem_shared>>) offsets(%dma_start3A_429 : memref<128xi32, #tpu.memory_space<vmem>>) semaphore(%arg11 : memref<!tpu.dma_semaphore, #tpu.memory_space<semaphore_mem>>) {add = true}
      %dma_start3A_432 = arith.constant 2 : i32
      %dma_start3A_433 = arith.constant 3 : i32
      %dma_start3A_434 = arith.constant 0 : i32
      %dma_start3A_435 = arith.constant 0 : i32
      %dma_start3A_436 = tpu.memref_slice %arg5[%dma_start3A_432, %dma_start3A_434, %dma_start3A_435] : memref<3x4x128xi32, #tpu.memory_space<vmem>> -> memref<1x4x128xi32, #tpu.memory_space<vmem>>
      %dma_start3A_437 = tpu.memref_squeeze %dma_start3A_436 : memref<1x4x128xi32, #tpu.memory_space<vmem>> -> memref<4x128xi32, #tpu.memory_space<vmem>>
      %dma_start3A_438 = arith.constant 0 : i32
      %dma_start3A_439 = tpu.memref_slice %dma_start3A_437[%dma_start3A_433, %dma_start3A_438] : memref<4x128xi32, #tpu.memory_space<vmem>> -> memref<1x128xi32, #tpu.memory_space<vmem>>
      %dma_start3A_440 = tpu.memref_squeeze %dma_start3A_439 : memref<1x128xi32, #tpu.memory_space<vmem>> -> memref<128xi32, #tpu.memory_space<vmem>>
      %dma_start3A_441 = arith.constant 0 : i32
      %dma_start3A_442 = tpu.memref_slice %arg7[%dma_start3A_441] : memref<100352xf32, #tpu.memory_space<vmem_shared>> -> memref<100352xf32, #tpu.memory_space<vmem_shared>>
      tpu.enqueue_indirect_dma source(%arg6 : memref<128xf32, #tpu.memory_space<vmem>>) target(%dma_start3A_442 : memref<100352xf32, #tpu.memory_space<vmem_shared>>) offsets(%dma_start3A_440 : memref<128xi32, #tpu.memory_space<vmem>>) semaphore(%arg11 : memref<!tpu.dma_semaphore, #tpu.memory_space<semaphore_mem>>) {add = true}
    }
    %scan3A_66 = arith.constant 33 : i32
    %dma_wait3A = arith.constant 1 : i32
    %dma_wait3A_67 = arith.constant 0 : i32
    %dma_wait3A_68 = arith.constant 0 : i32
    %dma_wait3A_69 = arith.constant 0 : i32
    %dma_wait3A_70 = tpu.memref_slice %arg5[%dma_wait3A, %dma_wait3A_68, %dma_wait3A_69] : memref<3x4x128xi32, #tpu.memory_space<vmem>> -> memref<1x4x128xi32, #tpu.memory_space<vmem>>
    %dma_wait3A_71 = tpu.memref_squeeze %dma_wait3A_70 : memref<1x4x128xi32, #tpu.memory_space<vmem>> -> memref<4x128xi32, #tpu.memory_space<vmem>>
    %dma_wait3A_72 = arith.constant 0 : i32
    %dma_wait3A_73 = tpu.memref_slice %dma_wait3A_71[%dma_wait3A_67, %dma_wait3A_72] : memref<4x128xi32, #tpu.memory_space<vmem>> -> memref<1x128xi32, #tpu.memory_space<vmem>>
    %dma_wait3A_74 = tpu.memref_squeeze %dma_wait3A_73 : memref<1x128xi32, #tpu.memory_space<vmem>> -> memref<128xi32, #tpu.memory_space<vmem>>
    %dma_wait3A_75 = arith.constant 0 : i32
    %dma_wait3A_76 = tpu.memref_slice %arg7[%dma_wait3A_75] : memref<100352xf32, #tpu.memory_space<vmem_shared>> -> memref<100352xf32, #tpu.memory_space<vmem_shared>>
    tpu.wait_indirect_dma semaphore(%arg10 : memref<!tpu.dma_semaphore, #tpu.memory_space<semaphore_mem>>) src(%arg6 : memref<128xf32, #tpu.memory_space<vmem>>) dst(%dma_wait3A_76 : memref<100352xf32, #tpu.memory_space<vmem_shared>>)
    %dma_wait3A_77 = arith.constant 1 : i32
    %dma_wait3A_78 = arith.constant 1 : i32
    %dma_wait3A_79 = arith.constant 0 : i32
    %dma_wait3A_80 = arith.constant 0 : i32
    %dma_wait3A_81 = tpu.memref_slice %arg5[%dma_wait3A_77, %dma_wait3A_79, %dma_wait3A_80] : memref<3x4x128xi32, #tpu.memory_space<vmem>> -> memref<1x4x128xi32, #tpu.memory_space<vmem>>
    %dma_wait3A_82 = tpu.memref_squeeze %dma_wait3A_81 : memref<1x4x128xi32, #tpu.memory_space<vmem>> -> memref<4x128xi32, #tpu.memory_space<vmem>>
    %dma_wait3A_83 = arith.constant 0 : i32
    %dma_wait3A_84 = tpu.memref_slice %dma_wait3A_82[%dma_wait3A_78, %dma_wait3A_83] : memref<4x128xi32, #tpu.memory_space<vmem>> -> memref<1x128xi32, #tpu.memory_space<vmem>>
    %dma_wait3A_85 = tpu.memref_squeeze %dma_wait3A_84 : memref<1x128xi32, #tpu.memory_space<vmem>> -> memref<128xi32, #tpu.memory_space<vmem>>
    %dma_wait3A_86 = arith.constant 0 : i32
    %dma_wait3A_87 = tpu.memref_slice %arg7[%dma_wait3A_86] : memref<100352xf32, #tpu.memory_space<vmem_shared>> -> memref<100352xf32, #tpu.memory_space<vmem_shared>>
    tpu.wait_indirect_dma semaphore(%arg10 : memref<!tpu.dma_semaphore, #tpu.memory_space<semaphore_mem>>) src(%arg6 : memref<128xf32, #tpu.memory_space<vmem>>) dst(%dma_wait3A_87 : memref<100352xf32, #tpu.memory_space<vmem_shared>>)
    %dma_wait3A_88 = arith.constant 1 : i32
    %dma_wait3A_89 = arith.constant 2 : i32
    %dma_wait3A_90 = arith.constant 0 : i32
    %dma_wait3A_91 = arith.constant 0 : i32
    %dma_wait3A_92 = tpu.memref_slice %arg5[%dma_wait3A_88, %dma_wait3A_90, %dma_wait3A_91] : memref<3x4x128xi32, #tpu.memory_space<vmem>> -> memref<1x4x128xi32, #tpu.memory_space<vmem>>
    %dma_wait3A_93 = tpu.memref_squeeze %dma_wait3A_92 : memref<1x4x128xi32, #tpu.memory_space<vmem>> -> memref<4x128xi32, #tpu.memory_space<vmem>>
    %dma_wait3A_94 = arith.constant 0 : i32
    %dma_wait3A_95 = tpu.memref_slice %dma_wait3A_93[%dma_wait3A_89, %dma_wait3A_94] : memref<4x128xi32, #tpu.memory_space<vmem>> -> memref<1x128xi32, #tpu.memory_space<vmem>>
    %dma_wait3A_96 = tpu.memref_squeeze %dma_wait3A_95 : memref<1x128xi32, #tpu.memory_space<vmem>> -> memref<128xi32, #tpu.memory_space<vmem>>
    %dma_wait3A_97 = arith.constant 0 : i32
    %dma_wait3A_98 = tpu.memref_slice %arg7[%dma_wait3A_97] : memref<100352xf32, #tpu.memory_space<vmem_shared>> -> memref<100352xf32, #tpu.memory_space<vmem_shared>>
    tpu.wait_indirect_dma semaphore(%arg10 : memref<!tpu.dma_semaphore, #tpu.memory_space<semaphore_mem>>) src(%arg6 : memref<128xf32, #tpu.memory_space<vmem>>) dst(%dma_wait3A_98 : memref<100352xf32, #tpu.memory_space<vmem_shared>>)
    %dma_wait3A_99 = arith.constant 1 : i32
    %dma_wait3A_100 = arith.constant 3 : i32
    %dma_wait3A_101 = arith.constant 0 : i32
    %dma_wait3A_102 = arith.constant 0 : i32
    %dma_wait3A_103 = tpu.memref_slice %arg5[%dma_wait3A_99, %dma_wait3A_101, %dma_wait3A_102] : memref<3x4x128xi32, #tpu.memory_space<vmem>> -> memref<1x4x128xi32, #tpu.memory_space<vmem>>
    %dma_wait3A_104 = tpu.memref_squeeze %dma_wait3A_103 : memref<1x4x128xi32, #tpu.memory_space<vmem>> -> memref<4x128xi32, #tpu.memory_space<vmem>>
    %dma_wait3A_105 = arith.constant 0 : i32
    %dma_wait3A_106 = tpu.memref_slice %dma_wait3A_104[%dma_wait3A_100, %dma_wait3A_105] : memref<4x128xi32, #tpu.memory_space<vmem>> -> memref<1x128xi32, #tpu.memory_space<vmem>>
    %dma_wait3A_107 = tpu.memref_squeeze %dma_wait3A_106 : memref<1x128xi32, #tpu.memory_space<vmem>> -> memref<128xi32, #tpu.memory_space<vmem>>
    %dma_wait3A_108 = arith.constant 0 : i32
    %dma_wait3A_109 = tpu.memref_slice %arg7[%dma_wait3A_108] : memref<100352xf32, #tpu.memory_space<vmem_shared>> -> memref<100352xf32, #tpu.memory_space<vmem_shared>>
    tpu.wait_indirect_dma semaphore(%arg10 : memref<!tpu.dma_semaphore, #tpu.memory_space<semaphore_mem>>) src(%arg6 : memref<128xf32, #tpu.memory_space<vmem>>) dst(%dma_wait3A_109 : memref<100352xf32, #tpu.memory_space<vmem_shared>>)
    %dma_wait3A_110 = arith.constant 2 : i32
    %dma_wait3A_111 = arith.constant 0 : i32
    %dma_wait3A_112 = arith.constant 0 : i32
    %dma_wait3A_113 = arith.constant 0 : i32
    %dma_wait3A_114 = tpu.memref_slice %arg5[%dma_wait3A_110, %dma_wait3A_112, %dma_wait3A_113] : memref<3x4x128xi32, #tpu.memory_space<vmem>> -> memref<1x4x128xi32, #tpu.memory_space<vmem>>
    %dma_wait3A_115 = tpu.memref_squeeze %dma_wait3A_114 : memref<1x4x128xi32, #tpu.memory_space<vmem>> -> memref<4x128xi32, #tpu.memory_space<vmem>>
    %dma_wait3A_116 = arith.constant 0 : i32
    %dma_wait3A_117 = tpu.memref_slice %dma_wait3A_115[%dma_wait3A_111, %dma_wait3A_116] : memref<4x128xi32, #tpu.memory_space<vmem>> -> memref<1x128xi32, #tpu.memory_space<vmem>>
    %dma_wait3A_118 = tpu.memref_squeeze %dma_wait3A_117 : memref<1x128xi32, #tpu.memory_space<vmem>> -> memref<128xi32, #tpu.memory_space<vmem>>
    %dma_wait3A_119 = arith.constant 0 : i32
    %dma_wait3A_120 = tpu.memref_slice %arg7[%dma_wait3A_119] : memref<100352xf32, #tpu.memory_space<vmem_shared>> -> memref<100352xf32, #tpu.memory_space<vmem_shared>>
    tpu.wait_indirect_dma semaphore(%arg11 : memref<!tpu.dma_semaphore, #tpu.memory_space<semaphore_mem>>) src(%arg6 : memref<128xf32, #tpu.memory_space<vmem>>) dst(%dma_wait3A_120 : memref<100352xf32, #tpu.memory_space<vmem_shared>>)
    %dma_wait3A_121 = arith.constant 2 : i32
    %dma_wait3A_122 = arith.constant 1 : i32
    %dma_wait3A_123 = arith.constant 0 : i32
    %dma_wait3A_124 = arith.constant 0 : i32
    %dma_wait3A_125 = tpu.memref_slice %arg5[%dma_wait3A_121, %dma_wait3A_123, %dma_wait3A_124] : memref<3x4x128xi32, #tpu.memory_space<vmem>> -> memref<1x4x128xi32, #tpu.memory_space<vmem>>
    %dma_wait3A_126 = tpu.memref_squeeze %dma_wait3A_125 : memref<1x4x128xi32, #tpu.memory_space<vmem>> -> memref<4x128xi32, #tpu.memory_space<vmem>>
    %dma_wait3A_127 = arith.constant 0 : i32
    %dma_wait3A_128 = tpu.memref_slice %dma_wait3A_126[%dma_wait3A_122, %dma_wait3A_127] : memref<4x128xi32, #tpu.memory_space<vmem>> -> memref<1x128xi32, #tpu.memory_space<vmem>>
    %dma_wait3A_129 = tpu.memref_squeeze %dma_wait3A_128 : memref<1x128xi32, #tpu.memory_space<vmem>> -> memref<128xi32, #tpu.memory_space<vmem>>
    %dma_wait3A_130 = arith.constant 0 : i32
    %dma_wait3A_131 = tpu.memref_slice %arg7[%dma_wait3A_130] : memref<100352xf32, #tpu.memory_space<vmem_shared>> -> memref<100352xf32, #tpu.memory_space<vmem_shared>>
    tpu.wait_indirect_dma semaphore(%arg11 : memref<!tpu.dma_semaphore, #tpu.memory_space<semaphore_mem>>) src(%arg6 : memref<128xf32, #tpu.memory_space<vmem>>) dst(%dma_wait3A_131 : memref<100352xf32, #tpu.memory_space<vmem_shared>>)
    %dma_wait3A_132 = arith.constant 2 : i32
    %dma_wait3A_133 = arith.constant 2 : i32
    %dma_wait3A_134 = arith.constant 0 : i32
    %dma_wait3A_135 = arith.constant 0 : i32
    %dma_wait3A_136 = tpu.memref_slice %arg5[%dma_wait3A_132, %dma_wait3A_134, %dma_wait3A_135] : memref<3x4x128xi32, #tpu.memory_space<vmem>> -> memref<1x4x128xi32, #tpu.memory_space<vmem>>
    %dma_wait3A_137 = tpu.memref_squeeze %dma_wait3A_136 : memref<1x4x128xi32, #tpu.memory_space<vmem>> -> memref<4x128xi32, #tpu.memory_space<vmem>>
    %dma_wait3A_138 = arith.constant 0 : i32
    %dma_wait3A_139 = tpu.memref_slice %dma_wait3A_137[%dma_wait3A_133, %dma_wait3A_138] : memref<4x128xi32, #tpu.memory_space<vmem>> -> memref<1x128xi32, #tpu.memory_space<vmem>>
    %dma_wait3A_140 = tpu.memref_squeeze %dma_wait3A_139 : memref<1x128xi32, #tpu.memory_space<vmem>> -> memref<128xi32, #tpu.memory_space<vmem>>
    %dma_wait3A_141 = arith.constant 0 : i32
    %dma_wait3A_142 = tpu.memref_slice %arg7[%dma_wait3A_141] : memref<100352xf32, #tpu.memory_space<vmem_shared>> -> memref<100352xf32, #tpu.memory_space<vmem_shared>>
    tpu.wait_indirect_dma semaphore(%arg11 : memref<!tpu.dma_semaphore, #tpu.memory_space<semaphore_mem>>) src(%arg6 : memref<128xf32, #tpu.memory_space<vmem>>) dst(%dma_wait3A_142 : memref<100352xf32, #tpu.memory_space<vmem_shared>>)
    %dma_wait3A_143 = arith.constant 2 : i32
    %dma_wait3A_144 = arith.constant 3 : i32
    %dma_wait3A_145 = arith.constant 0 : i32
    %dma_wait3A_146 = arith.constant 0 : i32
    %dma_wait3A_147 = tpu.memref_slice %arg5[%dma_wait3A_143, %dma_wait3A_145, %dma_wait3A_146] : memref<3x4x128xi32, #tpu.memory_space<vmem>> -> memref<1x4x128xi32, #tpu.memory_space<vmem>>
    %dma_wait3A_148 = tpu.memref_squeeze %dma_wait3A_147 : memref<1x4x128xi32, #tpu.memory_space<vmem>> -> memref<4x128xi32, #tpu.memory_space<vmem>>
    %dma_wait3A_149 = arith.constant 0 : i32
    %dma_wait3A_150 = tpu.memref_slice %dma_wait3A_148[%dma_wait3A_144, %dma_wait3A_149] : memref<4x128xi32, #tpu.memory_space<vmem>> -> memref<1x128xi32, #tpu.memory_space<vmem>>
    %dma_wait3A_151 = tpu.memref_squeeze %dma_wait3A_150 : memref<1x128xi32, #tpu.memory_space<vmem>> -> memref<128xi32, #tpu.memory_space<vmem>>
    %dma_wait3A_152 = arith.constant 0 : i32
    %dma_wait3A_153 = tpu.memref_slice %arg7[%dma_wait3A_152] : memref<100352xf32, #tpu.memory_space<vmem_shared>> -> memref<100352xf32, #tpu.memory_space<vmem_shared>>
    tpu.wait_indirect_dma semaphore(%arg11 : memref<!tpu.dma_semaphore, #tpu.memory_space<semaphore_mem>>) src(%arg6 : memref<128xf32, #tpu.memory_space<vmem>>) dst(%dma_wait3A_153 : memref<100352xf32, #tpu.memory_space<vmem_shared>>)
    %barrier3A_154 = arith.constant 0 : index
    tpu.barrier barrier_id(%barrier3A_154)
    "tpu.region"() ({
      %run_scoped3A = tpu.sem_alloc : memref<!tpu.dma_semaphore, #tpu.memory_space<semaphore_mem>>
      %dma_start3A_155 = arith.constant 0 : i32
      %dma_start3A_156 = tpu.memref_slice %arg4[%arg0, %dma_start3A_155] : memref<2x100352xf32, #tpu.memory_space<hbm>> -> memref<1x100352xf32, #tpu.memory_space<hbm>>
      %dma_start3A_157 = tpu.memref_squeeze %dma_start3A_156 : memref<1x100352xf32, #tpu.memory_space<hbm>> -> memref<100352xf32, #tpu.memory_space<hbm>>
      %dma_start3A_158 = tpu.memref_slice %dma_start3A_157[%mul3A_48] : memref<100352xf32, #tpu.memory_space<hbm>> -> memref<6272xf32, #tpu.memory_space<hbm>>
      %dma_start3A_159 = tpu.memref_slice %arg7[%mul3A_48] : memref<100352xf32, #tpu.memory_space<vmem_shared>> -> memref<6272xf32, #tpu.memory_space<vmem_shared>>
      tpu.enqueue_dma source(%dma_start3A_159 : memref<6272xf32, #tpu.memory_space<vmem_shared>>) target(%dma_start3A_158 : memref<6272xf32, #tpu.memory_space<hbm>>) target_semaphore(%run_scoped3A : memref<!tpu.dma_semaphore, #tpu.memory_space<semaphore_mem>>)
      %dma_wait3A_160 = arith.constant 0 : i32
      %dma_wait3A_161 = tpu.memref_slice %arg4[%arg0, %dma_wait3A_160] : memref<2x100352xf32, #tpu.memory_space<hbm>> -> memref<1x100352xf32, #tpu.memory_space<hbm>>
      %dma_wait3A_162 = tpu.memref_squeeze %dma_wait3A_161 : memref<1x100352xf32, #tpu.memory_space<hbm>> -> memref<100352xf32, #tpu.memory_space<hbm>>
      %dma_wait3A_163 = tpu.memref_slice %dma_wait3A_162[%mul3A_48] : memref<100352xf32, #tpu.memory_space<hbm>> -> memref<6272xf32, #tpu.memory_space<hbm>>
      %dma_wait3A_164 = tpu.memref_slice %arg7[%mul3A_48] : memref<100352xf32, #tpu.memory_space<vmem_shared>> -> memref<6272xf32, #tpu.memory_space<vmem_shared>>
      tpu.wait_dma2 semaphore(%run_scoped3A : memref<!tpu.dma_semaphore, #tpu.memory_space<semaphore_mem>>) src(%dma_wait3A_164 : memref<6272xf32, #tpu.memory_space<vmem_shared>>) dst(%dma_wait3A_163 : memref<6272xf32, #tpu.memory_space<hbm>>)
      tpu.yield
    }) : () -> ()
    return
  }
}

</mosaic_0001>

<sc_bundles>
// kernel: _sc_deg.3.cloned.1.call-start
scs
__scs_entry_jumppad:
0x0: {  	(pc) =	sbr.rel $0x88, $3  }
0x1: {  	(tag) =	ssettag $0x0;
	lr =	simm.s32 $0x1  }
0x2: {  	[smem:$0x3F9F] =	sst lr;
	_ =	strace $0xD0000000  }
0x3: {  	_ = 	snop  }
0x4: {  	_ = 	snop  }
0x5: {  	_ = 	snop  }
0x6: {  	_ = 	snop  }
0x7: {  	_ = 	snop  }
__scs_overlays_trampoline_lowered:
0x8: {  	[smem:$0x3FAE] =	sst s0  }
0x9: {  	[smem:$0x3FAF] =	sst s1  }
0xa: {  	[smem:$0x3FB0] =	sst s2  }
0xb: {  	[smem:$0x3FB1] =	sst s3  }
0xc: {  	[smem:$0x3FB2] =	sst s4  }
0xd: {  	[smem:$0x3FB3] =	sst s5  }
0xe: {  	[smem:$0x3FB4] =	sst s6  }
0xf: {  	[smem:$0x3FB5] =	sst s7  }
0x10: {  	[smem:$0x3FB6] =	sst s8  }
0x11: {  	[smem:$0x3FB7] =	sst s9;
	s0 =	simm.s32 @!p0 $0x0  }
0x12: {  	s1 =	sld [smem:$0x3F9D];
	s0 =	simm.s32 @p0 $0x1  }
0x13: {  	[smem:$0x3FB8] =	sst s0;
	s0 =	simm.s32 @!p1 $0x0  }
0x14: {  	s2 =	sld [smem:$0x3F9C];
	s0 =	simm.s32 @p1 $0x1  }
0x15: {  	[smem:$0x3FB9] =	sst s0;
	s0 =	simm.s32 @!p2 $0x0  }
0x16: {  	s3 =	sld [smem:$0x3FDB];
	s0 =	simm.s32 @p2 $0x1  }
0x17: {  	s4 =	simm.s32 $0x1BF5;
	[smem:$0x3FBB] =	sst s0  }
0x18: {  	s0 =	sld [smem:$0x3F9E];
	_ =	swait.ge [sflag:s4], $0x0  }
0x19: {  	s7 =	sld [smem:$0x3F9F]  }
0x1a: {  	s8 =	sadd.s32 $0xFFFFE003, lr  }
0x1b: {  	s9 =	sadd.s32 $0xFFFFFEF7, lr;
	s5 =	simm.s32 $0xFFFFFFFF;
	p2 =	slt.u32 s8, $0xFFFFF086  }
0x1c: {  	p1 =	slt.u32 s9, $0xF7A;
	s5 =	simm.s32 @!p2 $0x0  }
0x1d: {  	s5 =	simm.s32 @p1 $0x1;
	p0 =	seq.s32 s7, s2  }
0x1e: {  	s7 =	smul.u32 @!p0 $0xF7A, s2;
	p2 =	seq.s32 @!p0 s5, $0x0  }
0x1f: {  	s9 =	smul.u32 $0xF7A, s1;
	s8 =	simm.s32 @!p0 $0x1BF5;
	p2 =	por !p2, p0  }
0x20: {  	[sflag:s8] =	ssyncset.s32 @!p0 $0xFFFFF086;
	s6 =	sadd.s32 @!p0 s3, s7;
	s7 =	simm.s32 @!p0 $0x108  }
0x21: {  	s3 =	sadd.s32 s3, s9;
	s6 =	sadd.s32 @!p0 $0x88, s6;
	s7 =	simm.s32 @p2 $0x1082  }
0x22: {  	[simem:s7], [sflag:s8] =	dma.local @!p0 [hbm:s6], $0xF7A  }
0x23: {  	s9 =	sor.u32 $0xD0000000, s2;
	s6 =	simm.s32 $0x108;
	_ =	swait.ge @!p0 [sflag:s8], $0x0  }
0x24: {  	s3 =	sadd.s32 $0x88, s3;
	s6 =	simm.s32 @!p1 $0x1082;
	[sflag:s4] =	ssyncset.s32 $0xFFFFF086  }
0x25: {  	[simem:s6], [sflag:s4] =	dma.local [hbm:s3], $0xF7A  }
0x26: {  	[smem:$0x3F9F] =	sst s1;
	(tag) =	ssettag s2;
	_ =	strace s9  }
0x27: {  	s1 =	sld [smem:$0x3FAF]  }
0x28: {  	s2 =	sld [smem:$0x3FB0]  }
0x29: {  	s4 =	sld [smem:$0x3FB2]  }
0x2a: {  	p0 =	seq.s32 s5, $0x0;
	s5 =	sld [smem:$0x3FB3]  }
0x2b: {  	s6 =	sld [smem:$0x3FB4]  }
0x2c: {  	s7 =	sld [smem:$0x3FB5]  }
0x2d: {  	s3 =	simm.s32 $0x108;
	s8 =	sld [smem:$0x3FB6]  }
0x2e: {  	s3 =	simm.s32 @!p0 $0x1082;
	s9 =	sld [smem:$0x3FB7]  }
0x2f: {  	lr =	sadd.s32 s0, s3;
	s0 =	sld [smem:$0x3FAE]  }
0x30: {  	s3 =	sld [smem:$0x3FB1]  }
0x31: {  	[smem:$0x3FBA] =	sst s10  }
0x32: {  	s10 =	sld [smem:$0x3FB8];
	_ =	sdelay $0x3  }
0x33: {  	p0 =	seq.s32 s10, $0x1;
	s10 =	sld [smem:$0x3FBA];
	_ =	sdelay $0x3  }
0x34: {  	[smem:$0x3FBA] =	sst s10  }
0x35: {  	s10 =	sld [smem:$0x3FB9];
	_ =	sdelay $0x3  }
0x36: {  	p1 =	seq.s32 s10, $0x1;
	s10 =	sld [smem:$0x3FBA];
	_ =	sdelay $0x3  }
0x37: {  	[smem:$0x3FBA] =	sst s10  }
0x38: {  	s10 =	sld [smem:$0x3FBB]  }
0x39: {  	_ = 	snop;
	(pc) =	sbr.ind lr, $3  }
0x3a: {  	_ = 	snop  }
0x3b: {  	_ = 	snop  }
0x3c: {  	p2 =	seq.s32 s10, $0x1;
	s10 =	sld [smem:$0x3FBA]  }
0x3d: {  	_ =	shalt  }
0x3e: {  	_ =	shalt  }
0x3f: {  	_ =	shalt  }
0x40: {  	_ =	shalt  }
0x41: {  	_ =	shalt  }
0x42: {  	_ =	shalt  }
0x43: {  	_ =	shalt  }
0x44: {  	_ =	shalt  }
0x45: {  	_ =	shalt  }
0x46: {  	_ =	shalt  }
0x47: {  	_ =	shalt  }
0x48: {  	_ =	shalt  }
0x49: {  	_ =	shalt  }
0x4a: {  	_ =	shalt  }
0x4b: {  	_ =	shalt  }
0x4c: {  	_ =	shalt  }
0x4d: {  	_ =	shalt  }
0x4e: {  	_ =	shalt  }
0x4f: {  	_ =	shalt  }
0x50: {  	_ =	shalt  }
0x51: {  	_ =	shalt  }
0x52: {  	_ =	shalt  }
0x53: {  	_ =	shalt  }
0x54: {  	_ =	shalt  }
0x55: {  	_ =	shalt  }
0x56: {  	_ =	shalt  }
0x57: {  	_ =	shalt  }
0x58: {  	_ =	shalt  }
0x59: {  	_ =	shalt  }
0x5a: {  	_ =	shalt  }
0x5b: {  	_ =	shalt  }
0x5c: {  	_ =	shalt  }
0x5d: {  	_ =	shalt  }
0x5e: {  	_ =	shalt  }
0x5f: {  	_ =	shalt  }
0x60: {  	_ =	shalt  }
0x61: {  	_ =	shalt  }
0x62: {  	_ =	shalt  }
0x63: {  	_ =	shalt  }
0x64: {  	_ =	shalt  }
0x65: {  	_ =	shalt  }
0x66: {  	_ =	shalt  }
0x67: {  	_ =	shalt  }
0x68: {  	_ =	shalt  }
0x69: {  	_ =	shalt  }
0x6a: {  	_ =	shalt  }
0x6b: {  	_ =	shalt  }
0x6c: {  	_ =	shalt  }
0x6d: {  	_ =	shalt  }
0x6e: {  	_ =	shalt  }
0x6f: {  	_ =	shalt  }
0x70: {  	_ =	shalt  }
0x71: {  	_ =	shalt  }
0x72: {  	_ =	shalt  }
0x73: {  	_ =	shalt  }
0x74: {  	_ =	shalt  }
0x75: {  	_ =	shalt  }
0x76: {  	_ =	shalt  }
0x77: {  	_ =	shalt  }
0x78: {  	_ =	shalt  }
0x79: {  	_ =	shalt  }
0x7a: {  	_ =	shalt  }
0x7b: {  	_ =	shalt  }
0x7c: {  	_ =	shalt  }
0x7d: {  	_ =	shalt  }
0x7e: {  	_ =	shalt  }
0x7f: {  	_ =	shalt  }
0x80: {  	_ =	shalt  }
0x81: {  	_ =	shalt  }
0x82: {  	_ =	shalt  }
0x83: {  	_ =	shalt  }
0x84: {  	_ =	shalt  }
0x85: {  	_ =	shalt  }
0x86: {  	_ =	shalt  }
0x87: {  	_ =	shalt  }
.Lfunc_end0:
.L_simem_size_0:
called_computation_lowered:
.L_overlay_start_0:
0x88: {  	s2 =	sld [smem:$0x3FD9]  }
0x89: {  	s3 =	sld [smem:$0x3FFE];
	_ =	sdelay $0x1  }
0x8a: {  	s1 =	srdreg.scid  }
0x8b: {  	s0 =	sand.u32 $0x1, s1  }
0x8c: {  	s18 =	sshll.u32 s0, $0xA;
	s2 =	sadd.s32 s3, s2  }
0x8d: {  	s2 =	sadd.s32 s2, s18  }
0x8e: {  	[smem:$0x3FC6] =	sst s2  }
0x8f: {  	_ = 	snop  }
0x90: {  	s2 =	sld [smem:$0x3FC9]  }
0x91: {  	s19 =	sld [smem:$0x3FC8]  }
0x92: {  	s4 =	sld [smem:$0x3FD0];
	(tm) =	ssettm $0x1  }
0x93: {  	s5 =	sld [smem:$0x3FFB];
	_ =	sdelay $0x3  }
0x94: {  	_ =	strace s5  }
0x95: {  	s5 =	sld [smem:$0x3FFC];
	_ =	sdelay $0x3  }
0x96: {  	_ =	strace s5  }
0x97: {  	s5 =	sld [smem:$0x3FFD];
	_ =	sdelay $0x3  }
0x98: {  	_ =	strace s5  }
0x99: {  	_ =	strace $0x8FFFFFFF  }
0x9a: {  	s20 =	sld [smem:$0x3FDB];
	_ =	sdelay $0x1  }
0x9b: {  	s6 =	simm.s32 $_scs_section_size  }
0x9c: {  	s7 =	simm.s32 $_size__tile_overlayer_lowered;
	s8 =	simm.s32 $_tile_overlayer_lowered  }
0x9d: {  	s23 =	simm.s32 $0x1BFF;
	s22 =	sshll.u32 s8, $0x1;
	s5 =	sadd.s32 s6, s20  }
0x9e: {  	s9 =	simm.s32 $0x0;
	s21 =	sshll.u32 s7, $0x1;
	s7 =	sadd.s32 s22, s5  }
0x9f: {  	[timem:s9], [sflag:s23] =	dma.local [hbm:s7], s21  }
0xa0: {  	_ =	swait.ge [sflag:s23], s21  }
0xa1: {  	s6 =	ssub.s32 $0x0, s21;
	[sflag:s23] =	ssyncset.done $0x0  }
0xa2: {  	[sflag:s23] =	ssyncadd.s32 s6;
	_ =	sdelay $0x1  }
0xa3: {  	s24 =	simm.s32 $0x1B8B  }
0xa4: {  	_ =	swait.ge [sflag:s24], $0x1  }
0xa5: {  	[sflag:s24] =	ssyncset.done $0x0  }
0xa6: {  	s25 =	simm.s32 $0x1B8E;
	[sflag:s24] =	ssyncadd.s32 $0xFFFFFFFF  }
0xa7: {  	s26 =	simm.s32 $execute0_lowered;
	[smem:$0x3FD2] =	sst s25  }
0xa8: {  	s6 =	sshll.u32 s26, $0x1;
	_ =	strace $0x80000046;
	[dreg:$0x1] =	wrdreg $0xFFFFFFFF  }
0xa9: {  	s28 =	simm.s32 $_size_execute0_lowered;
	s5 =	sadd.s32 s5, s6;
	[dreg:$0x0] =	wrdreg $0x0  }
0xaa: {  	s6 =	sshll.u32 s28, $0x1;
	[dreg:$0x2] =	wrdreg s5  }
0xab: {  	[dreg:$0x3] =	wrdreg s6  }
0xac: {  	[dreg:$0x4] =	wrdreg $0xC0  }
0xad: {  	_ =	task [dreg:s9], $0x5FFFF  }
0xae: {  	[dreg:$0x1] =	wrdreg $0xFFFFFFFF  }
0xaf: {  	[dreg:$0x0] =	wrdreg $0x60  }
0xb0: {  	[dreg:$0x2] =	wrdreg s2  }
0xb1: {  	[dreg:$0x3] =	wrdreg s19  }
0xb2: {  	[dreg:$0x4] =	wrdreg s4  }
0xb3: {  	[dreg:$0x5] =	wrdreg $0x6800  }
0xb4: {  	[dreg:$0x6] =	wrdreg $0x9  }
0xb5: {  	_ =	task.clear_ibuf [dreg:s9], $0x7FFFF;
	_ =	strace $0x90000046  }
0xb6: {  	s29 =	simm.s32 $0x9;
	_ =	strace $0x80000048  }
0xb7: {  	_ =	swait.ge [sflag:s29], $0x1  }
0xb8: {  	[sflag:s29] =	ssyncadd.s32 $0xFFFFFFFF  }
0xb9: {  	_ =	strace $0x90000048  }
0xba: {  	_ =	sfence  }
0xbb: {  	s30 =	sld [smem:$0x0];
	_ =	sdelay $0x2  }
0xbc: {  	s31 =	sshll.u32 s1, $0xD;
	s1 =	sshrl.u32 s1, $0x2  }
0xbd: {  	s3 =	sand.u32 $0x4000, s31;
	s1 =	sadd.s32 s1, s30  }
0xbe: {  	s0 =	sor.u32 s3, s0;
	s1 =	sshll.u32 s1, $0x11  }
0xbf: {  	s0 =	sor.u32 s1, s0  }
0xc0: {  	s0 =	sadd.s32 $0x8F2B, s0  }
0xc1: {  	[sflag:s0] =	ssyncadd.remote.s32 $0x1  }
0xc2: {  	_ =	sfence.sel $0xFFFF  }
0xc3: {  	[dreg:$0x0] =	wrdreg $0xFFFFFFFF;
	(pc) =	sbr.abs _section_cstart, $3  }
0xc4: {  	[dreg:$0x1] =	wrdreg $0xFFFFFFFF  }
0xc5: {  	_ =	task.clear_ibuf [dreg:s9], $0x2FFFF;
	_ =	strace $0x9FFFFFFF  }
0xc6: {  	(tm) =	ssettm $0x7FFFFFFF  }
0xc7: {  	_ =	shalt  }
tec
execute0_lowered:
.L_overlay_start_1:
0x0: {  	(tag) =	ssettag $0x1  }
0x1: {  	s0 =	rddreg [dreg:$0x0]  }
0x2: {  	s1 =	rddreg [dreg:$0x1]  }
0x3: {  	s4 =	rddreg [dreg:$0x2]  }
0x4: {  	s2 =	rddreg [dreg:$0x3]  }
0x5: {  	s3 =	simm.s32 $0x0;
	s5 =	srdreg.scid;
	s13 =	stileid.u32  }
0x6: {  	s14 =	simm.s32 $0x200;
	s15 =	simm.s32 $0x80;
	s16 =	simm.s32 $0x600  }
0x7: {  	s17 =	simm.s32 $0x100;
	s18 =	simm.s32 $0x180;
	s28 =	simm.s32 $0x580  }
0x8: {  	s29 =	simm.s32 $0x3;
	s30 =	simm.s32 $0x4;
	s8 =	smul.u32 $0x1880, s13  }
0x9: {  	[smem:$0x7FF] =	sst s3;
	s6 =	sand.u32 $0x1, s5;
	s10 =	smul.u32 $0x318, s13  }
0xa: {  	s19 =	sshll.u32 s13, $0x1;
	s22 =	sshll.u32 s13, $0x6;
	s31 =	smul.u32 $0x620, s13  }
0xb: {  	s13 =	simm.s32 $0x1;
	s7 =	ssub.s32 $0x2, s6;
	s5 =	sor.u32 s6, s19  }
0xc: {  	_ =	strace $0x80000047;
	s21 =	smul.u32 $0x18C, s6;
	s12 =	sshll.u32 s6, $0x9  }
0xd: {  	s25 =	sshll.u32 s6, $0x4;
	s19 =	simm.s32 $0x400;
	s9 =	sshrl.u32 s7, $0x1  }
0xe: {  	s5 =	smul.u32 $0xC600, s5;
	s20 =	sshrl.u32 s8, $0x3;
	s11 =	sadd.s32 s8, s2  }
0xf: {  	s4 =	sadd.s32 s4, s25;
	s25 =	simm.s32 $0x480;
	s7 =	ssub.s32 s7, s9  }
0x10: {  	s1 =	sadd.s32 s1, s20;
	s11 =	sshrl.u32 s11, $0x3;
	s20 =	simm.s32 $0x280  }
0x11: {  	[dreg:$0x5] =	wrdreg s1;
	s23 =	sand.u32 $0x1FFC00, s5;
	s5 =	sor.u32 $0x1C05, s22  }
0x12: {  	s1 =	sadd.s32 s21, s10;
	s7 =	smax.u32 s7, $0x1;
	s21 =	simm.s32 $0x300  }
0x13: {  	s22 =	simm.s32 $0x380;
	s24 =	sor.u32 s12, s23;
	s1 =	sshll.u32 s1, $0x4  }
0x14: {  	s12 =	simm.s32 $0x5;
	s23 =	simm.s32 $0x2;
	s8 =	sshrl.u32 s24, $0x3  }
0x15: {  	s24 =	sadd.s32 s31, s4;
	s26 =	sadd.s32 s0, s8;
	s0 =	sadd.s32 s0, s1  }
0x16: {  	s1 =	simm.s32 $0x0;
	[dreg:$0x6] =	wrdreg s26;
	s8 =	sadd.s32 $0xC0, s0  }
0x17: {  	v0 =	vimm.f32 $1.000000000e+00;
	s9 =	sadd.s32 $0x80, s0;
	s10 =	sadd.s32 $0x40, s0;
	s26 =	simm.s32 $0x500  }
.LBB2_1:
0x18: {  	[tilespmem:$0x600] =	vst v0  }
0x19: {  	[tilespmem:$0x610] =	vst v0  }
0x1a: {  	[tilespmem:$0x620] =	vst v0  }
0x1b: {  	[tilespmem:$0x630] =	vst v0  }
0x1c: {  	[tilespmem:$0x640] =	vst v0  }
0x1d: {  	[tilespmem:$0x650] =	vst v0  }
0x1e: {  	[tilespmem:$0x660] =	vst v0  }
0x1f: {  	[tilespmem:$0x670] =	vst v0;
	s0 =	rddreg [dreg:$0x5]  }
0x20: {  	[spmem:s11], [sflag:s5] =	dma.local [hbm:s0], $0x310  }
0x21: {  	_ =	swait.ge [sflag:s12], $0x310  }
0x22: {  	[sflag:s12] =	ssyncset.done $0x0  }
0x23: {  	p0 =	por $0x1, $0x1;
	[sflag:s12] =	ssyncadd.s32 $0xFFFFFCF0  }
0x24: {  	p0 =	por p0, p0;
	[bflag:$0x0] =	sbarrier.arrive $0xFFFF  }
0x25: {  	s0 =	simm.s32 @!p0 $0x3;
	s6 =	rddreg [dreg:$0x6]  }
0x26: {  	[tilespmem:s3], [sflag:$0x1] =	stream.linear.gather [hbm4b:s6+s3], $0x200, $0x38;
	[tilespmem:$0x1F00] =	vst v63  }
0x27: {  	_ =	swait.ge @!p0 [sflag:s0], $0x80  }
0x28: {  	[sflag:s0] =	ssyncset.done @!p0 $0x0  }
0x29: {  	[sflag:s0] =	ssyncadd.s32 @!p0 $0xFFFFFF80  }
0x2a: {  	_ =	swait.ge @!p0 [sflag:s0], $0x80  }
0x2b: {  	[sflag:s0] =	ssyncset.done @!p0 $0x0  }
0x2c: {  	[sflag:s0] =	ssyncadd.s32 @!p0 $0xFFFFFF80  }
0x2d: {  	_ =	swait.ge @!p0 [sflag:s0], $0x80  }
0x2e: {  	[sflag:s0] =	ssyncset.done @!p0 $0x0  }
0x2f: {  	[sflag:s0] =	ssyncadd.s32 @!p0 $0xFFFFFF80  }
0x30: {  	_ =	swait.ge @!p0 [sflag:s0], $0x80  }
0x31: {  	[sflag:s0] =	ssyncset.done @!p0 $0x0  }
0x32: {  	[sflag:s0] =	ssyncadd.s32 @!p0 $0xFFFFFF80  }
0x33: {  	_ =	swait.ge [sflag:s13], $0x200  }
0x34: {  	[sflag:s13] =	ssyncset.done $0x0  }
0x35: {  	s4 =	sadd.s32 $0x0, s10;
	[sflag:s13] =	ssyncadd.s32 $0xFFFFFE00  }
0x36: {  	[tilespmem:s14], [sflag:$0x1] =	stream.linear.gather [hbm4b:s4+s3], $0x200, $0x38;
	[tilespmem:$0x1F00] =	vst v63  }
0x37: {  	_ = 	snop  }
0x38: {  	[spmem:s2] =	stream.indirect.scatter.add.f32 [tilespmem:s16], [sflag:$0x2], $0x1, s3, s15, $0xb8;
	[tilespmem:$0x1F00] =	vst v63  }
0x39: {  	_ = 	snop  }
0x3a: {  	[spmem:s2] =	stream.indirect.scatter.add.f32 [tilespmem:s16], [sflag:$0x2], $0x1, s15, s15, $0xb8;
	[tilespmem:$0x1F00] =	vst v63  }
0x3b: {  	_ = 	snop  }
0x3c: {  	[spmem:s2] =	stream.indirect.scatter.add.f32 [tilespmem:s16], [sflag:$0x2], $0x1, s17, s15, $0xb8;
	[tilespmem:$0x1F00] =	vst v63  }
0x3d: {  	s0 =	simm.s32 @!p0 $0x4  }
0x3e: {  	[spmem:s2] =	stream.indirect.scatter.add.f32 [tilespmem:s16], [sflag:$0x2], $0x1, s18, s15, $0xb8;
	[tilespmem:$0x1F00] =	vst v63  }
0x3f: {  	_ =	swait.ge @!p0 [sflag:s0], $0x80  }
0x40: {  	[sflag:s0] =	ssyncset.done @!p0 $0x0  }
0x41: {  	[sflag:s0] =	ssyncadd.s32 @!p0 $0xFFFFFF80  }
0x42: {  	_ =	swait.ge @!p0 [sflag:s0], $0x80  }
0x43: {  	[sflag:s0] =	ssyncset.done @!p0 $0x0  }
0x44: {  	[sflag:s0] =	ssyncadd.s32 @!p0 $0xFFFFFF80  }
0x45: {  	_ =	swait.ge @!p0 [sflag:s0], $0x80  }
0x46: {  	[sflag:s0] =	ssyncset.done @!p0 $0x0  }
0x47: {  	[sflag:s0] =	ssyncadd.s32 @!p0 $0xFFFFFF80  }
0x48: {  	_ =	swait.ge @!p0 [sflag:s0], $0x80  }
0x49: {  	[sflag:s0] =	ssyncset.done @!p0 $0x0  }
0x4a: {  	[sflag:s0] =	ssyncadd.s32 @!p0 $0xFFFFFF80  }
0x4b: {  	_ =	swait.ge [sflag:s13], $0x200  }
0x4c: {  	[sflag:s13] =	ssyncset.done $0x0  }
0x4d: {  	s6 =	sadd.s32 $0x0, s9;
	[sflag:s13] =	ssyncadd.s32 $0xFFFFFE00  }
0x4e: {  	[tilespmem:s19], [sflag:$0x1] =	stream.linear.gather [hbm4b:s6+s3], $0x200, $0x38;
	[tilespmem:$0x1F00] =	vst v63  }
0x4f: {  	_ = 	snop  }
0x50: {  	[spmem:s2] =	stream.indirect.scatter.add.f32 [tilespmem:s16], [sflag:$0x3], $0x1, s14, s15, $0xb8;
	[tilespmem:$0x1F00] =	vst v63  }
0x51: {  	_ = 	snop  }
0x52: {  	[spmem:s2] =	stream.indirect.scatter.add.f32 [tilespmem:s16], [sflag:$0x3], $0x1, s20, s15, $0xb8;
	[tilespmem:$0x1F00] =	vst v63  }
0x53: {  	_ = 	snop  }
0x54: {  	[spmem:s2] =	stream.indirect.scatter.add.f32 [tilespmem:s16], [sflag:$0x3], $0x1, s21, s15, $0xb8;
	[tilespmem:$0x1F00] =	vst v63  }
0x55: {  	_ = 	snop  }
0x56: {  	[spmem:s2] =	stream.indirect.scatter.add.f32 [tilespmem:s16], [sflag:$0x3], $0x1, s22, s15, $0xb8;
	[tilespmem:$0x1F00] =	vst v63  }
0x57: {  	_ =	swait.ge [sflag:s23], $0x80  }
0x58: {  	[sflag:s23] =	ssyncset.done $0x0  }
0x59: {  	[sflag:s23] =	ssyncadd.s32 $0xFFFFFF80  }
0x5a: {  	_ =	swait.ge [sflag:s23], $0x80  }
0x5b: {  	[sflag:s23] =	ssyncset.done $0x0  }
0x5c: {  	[sflag:s23] =	ssyncadd.s32 $0xFFFFFF80  }
0x5d: {  	_ =	swait.ge [sflag:s23], $0x80  }
0x5e: {  	[sflag:s23] =	ssyncset.done $0x0  }
0x5f: {  	[sflag:s23] =	ssyncadd.s32 $0xFFFFFF80  }
0x60: {  	_ =	swait.ge [sflag:s23], $0x80  }
0x61: {  	[sflag:s23] =	ssyncset.done $0x0  }
0x62: {  	[sflag:s23] =	ssyncadd.s32 $0xFFFFFF80  }
0x63: {  	_ =	swait.ge [sflag:s13], $0x200  }
0x64: {  	p0 =	por $0x0, $0x0;
	[sflag:s13] =	ssyncset.done $0x0  }
0x65: {  	s0 =	sadd.s32 @!p0 $0x0, s8;
	s4 =	simm.s32 @!p0 $0x0;
	[sflag:s13] =	ssyncadd.s32 $0xFFFFFE00  }
0x66: {  	[tilespmem:s4], [sflag:$0x1] =	stream.linear.gather @!p0 [hbm4b:s0+s4], $0x200, $0x38;
	[tilespmem:$0x1F00] =	vst v63  }
0x67: {  	_ = 	snop  }
0x68: {  	[spmem:s2] =	stream.indirect.scatter.add.f32 [tilespmem:s16], [sflag:$0x4], $0x1, s19, s15, $0xb8;
	[tilespmem:$0x1F00] =	vst v63  }
0x69: {  	p6 =	por $0x0, $0x0  }
0x6a: {  	[spmem:s2] =	stream.indirect.scatter.add.f32 [tilespmem:s16], [sflag:$0x4], $0x1, s25, s15, $0xb8;
	[tilespmem:$0x1F00] =	vst v63  }
0x6b: {  	s31 =	simm.s32 $0xC0;
	s0 =	simm.s32 $0x180;
	p0 =	por p6, p6  }
0x6c: {  	[spmem:s2] =	stream.indirect.scatter.add.f32 [tilespmem:s16], [sflag:$0x4], $0x1, s26, s15, $0xb8;
	[tilespmem:$0x1F00] =	vst v63  }
.LBB2_2:
0x6d: {  	[spmem:s2] =	stream.indirect.scatter.add.f32 [tilespmem:s16], [sflag:$0x4], $0x1, s28, s15, $0xb8;
	[tilespmem:$0x1F00] =	vst v63  }
0x6e: {  	s4 =	smov.u32 s0  }
0x6f: {  	s0 =	sadd.s32 $0xC0, s0;
	s6 =	simm.s32 @!p0 $0x3;
	p2 =	seq.s32 s4, $0x0  }
0x70: {  	p1 =	sne.s32 s0, $0x18C0;
	_ =	swait.ge @!p0 [sflag:s6], $0x80  }
0x71: {  	[sflag:s6] =	ssyncset.done @!p0 $0x0  }
0x72: {  	[sflag:s6] =	ssyncadd.s32 @!p0 $0xFFFFFF80  }
0x73: {  	_ =	swait.ge @!p0 [sflag:s6], $0x80  }
0x74: {  	[sflag:s6] =	ssyncset.done @!p0 $0x0  }
0x75: {  	[sflag:s6] =	ssyncadd.s32 @!p0 $0xFFFFFF80  }
0x76: {  	_ =	swait.ge @!p0 [sflag:s6], $0x80  }
0x77: {  	[sflag:s6] =	ssyncset.done @!p0 $0x0  }
0x78: {  	[sflag:s6] =	ssyncadd.s32 @!p0 $0xFFFFFF80  }
0x79: {  	_ =	swait.ge @!p0 [sflag:s6], $0x80  }
0x7a: {  	[sflag:s6] =	ssyncset.done @!p0 $0x0  }
0x7b: {  	[sflag:s6] =	ssyncadd.s32 @!p0 $0xFFFFFF80  }
0x7c: {  	_ =	swait.ge [sflag:s13], $0x200  }
0x7d: {  	[sflag:s13] =	ssyncset.done $0x0  }
0x7e: {  	s6 =	sadd.s32 s31, s10;
	[sflag:s13] =	ssyncadd.s32 $0xFFFFFE00  }
0x7f: {  	[tilespmem:s14], [sflag:$0x1] =	stream.linear.gather [hbm4b:s6+s3], $0x200, $0x38;
	[tilespmem:$0x1F00] =	vst v63  }
0x80: {  	_ = 	snop  }
0x81: {  	[spmem:s2] =	stream.indirect.scatter.add.f32 [tilespmem:s16], [sflag:$0x2], $0x1, s3, s15, $0xb8;
	[tilespmem:$0x1F00] =	vst v63  }
0x82: {  	_ = 	snop  }
0x83: {  	[spmem:s2] =	stream.indirect.scatter.add.f32 [tilespmem:s16], [sflag:$0x2], $0x1, s15, s15, $0xb8;
	[tilespmem:$0x1F00] =	vst v63  }
0x84: {  	_ = 	snop  }
0x85: {  	[spmem:s2] =	stream.indirect.scatter.add.f32 [tilespmem:s16], [sflag:$0x2], $0x1, s17, s15, $0xb8;
	[tilespmem:$0x1F00] =	vst v63  }
0x86: {  	s6 =	simm.s32 @!p0 $0x4  }
0x87: {  	[spmem:s2] =	stream.indirect.scatter.add.f32 [tilespmem:s16], [sflag:$0x2], $0x1, s18, s15, $0xb8;
	[tilespmem:$0x1F00] =	vst v63  }
0x88: {  	_ =	swait.ge @!p0 [sflag:s6], $0x80  }
0x89: {  	[sflag:s6] =	ssyncset.done @!p0 $0x0  }
0x8a: {  	[sflag:s6] =	ssyncadd.s32 @!p0 $0xFFFFFF80  }
0x8b: {  	_ =	swait.ge @!p0 [sflag:s6], $0x80  }
0x8c: {  	[sflag:s6] =	ssyncset.done @!p0 $0x0  }
0x8d: {  	[sflag:s6] =	ssyncadd.s32 @!p0 $0xFFFFFF80  }
0x8e: {  	_ =	swait.ge @!p0 [sflag:s6], $0x80  }
0x8f: {  	[sflag:s6] =	ssyncset.done @!p0 $0x0  }
0x90: {  	[sflag:s6] =	ssyncadd.s32 @!p0 $0xFFFFFF80  }
0x91: {  	_ =	swait.ge @!p0 [sflag:s6], $0x80  }
0x92: {  	[sflag:s6] =	ssyncset.done @!p0 $0x0  }
0x93: {  	[sflag:s6] =	ssyncadd.s32 @!p0 $0xFFFFFF80;
	p0 =	por p2, p2  }
0x94: {  	_ =	swait.ge [sflag:s13], $0x200  }
0x95: {  	[sflag:s13] =	ssyncset.done $0x0  }
0x96: {  	s6 =	sadd.s32 s31, s9;
	[sflag:s13] =	ssyncadd.s32 $0xFFFFFE00  }
0x97: {  	[tilespmem:s19], [sflag:$0x1] =	stream.linear.gather [hbm4b:s6+s3], $0x200, $0x38;
	[tilespmem:$0x1F00] =	vst v63  }
0x98: {  	_ = 	snop  }
0x99: {  	[spmem:s2] =	stream.indirect.scatter.add.f32 [tilespmem:s16], [sflag:$0x3], $0x1, s14, s15, $0xb8;
	[tilespmem:$0x1F00] =	vst v63  }
0x9a: {  	_ = 	snop  }
0x9b: {  	[spmem:s2] =	stream.indirect.scatter.add.f32 [tilespmem:s16], [sflag:$0x3], $0x1, s20, s15, $0xb8;
	[tilespmem:$0x1F00] =	vst v63  }
0x9c: {  	_ = 	snop  }
0x9d: {  	[spmem:s2] =	stream.indirect.scatter.add.f32 [tilespmem:s16], [sflag:$0x3], $0x1, s21, s15, $0xb8;
	[tilespmem:$0x1F00] =	vst v63  }
0x9e: {  	_ = 	snop  }
0x9f: {  	[spmem:s2] =	stream.indirect.scatter.add.f32 [tilespmem:s16], [sflag:$0x3], $0x1, s22, s15, $0xb8;
	[tilespmem:$0x1F00] =	vst v63  }
0xa0: {  	_ =	swait.ge [sflag:s23], $0x80  }
0xa1: {  	[sflag:s23] =	ssyncset.done $0x0  }
0xa2: {  	[sflag:s23] =	ssyncadd.s32 $0xFFFFFF80  }
0xa3: {  	_ =	swait.ge [sflag:s23], $0x80  }
0xa4: {  	[sflag:s23] =	ssyncset.done $0x0  }
0xa5: {  	[sflag:s23] =	ssyncadd.s32 $0xFFFFFF80  }
0xa6: {  	_ =	swait.ge [sflag:s23], $0x80  }
0xa7: {  	[sflag:s23] =	ssyncset.done $0x0  }
0xa8: {  	[sflag:s23] =	ssyncadd.s32 $0xFFFFFF80  }
0xa9: {  	_ =	swait.ge [sflag:s23], $0x80  }
0xaa: {  	[sflag:s23] =	ssyncset.done $0x0  }
0xab: {  	[sflag:s23] =	ssyncadd.s32 $0xFFFFFF80  }
0xac: {  	_ =	swait.ge [sflag:s13], $0x200  }
0xad: {  	p2 =	seq.s32 s31, $0x1800;
	[sflag:s13] =	ssyncset.done $0x0  }
0xae: {  	s6 =	sadd.s32 @!p2 s31, s8;
	s31 =	simm.s32 @!p2 $0x0;
	[sflag:s13] =	ssyncadd.s32 $0xFFFFFE00  }
0xaf: {  	[tilespmem:s31], [sflag:$0x1] =	stream.linear.gather @!p2 [hbm4b:s6+s31], $0x200, $0x38;
	[tilespmem:$0x1F00] =	vst v63  }
0xb0: {  	s31 =	smov.u32 s4  }
0xb1: {  	[spmem:s2] =	stream.indirect.scatter.add.f32 [tilespmem:s16], [sflag:$0x4], $0x1, s19, s15, $0xb8;
	[tilespmem:$0x1F00] =	vst v63  }
.Ltmp0:
0xb2: {  	_ = 	snop;
	(pc) =	sbr.rel @p1 .LBB2_2-.Ltmp0, $4  }
0xb3: {  	_ = 	snop  }
0xb4: {  	[spmem:s2] =	stream.indirect.scatter.add.f32 [tilespmem:s16], [sflag:$0x4], $0x1, s25, s15, $0xb8;
	[tilespmem:$0x1F00] =	vst v63  }
0xb5: {  	_ = 	snop  }
0xb6: {  	[spmem:s2] =	stream.indirect.scatter.add.f32 [tilespmem:s16], [sflag:$0x4], $0x1, s26, s15, $0xb8;
	[tilespmem:$0x1F00] =	vst v63  }
0xb7: {  	[spmem:s2] =	stream.indirect.scatter.add.f32 [tilespmem:s16], [sflag:$0x4], $0x1, s28, s15, $0xb8;
	[tilespmem:$0x1F00] =	vst v63  }
0xb8: {  	s0 =	simm.s32 @!p0 $0x3  }
0xb9: {  	_ =	swait.ge @!p0 [sflag:s0], $0x80  }
0xba: {  	[sflag:s0] =	ssyncset.done @!p0 $0x0  }
0xbb: {  	[sflag:s0] =	ssyncadd.s32 @!p0 $0xFFFFFF80  }
0xbc: {  	_ =	swait.ge @!p0 [sflag:s0], $0x80  }
0xbd: {  	[sflag:s0] =	ssyncset.done @!p0 $0x0  }
0xbe: {  	[sflag:s0] =	ssyncadd.s32 @!p0 $0xFFFFFF80  }
0xbf: {  	_ =	swait.ge @!p0 [sflag:s0], $0x80  }
0xc0: {  	[sflag:s0] =	ssyncset.done @!p0 $0x0  }
0xc1: {  	[sflag:s0] =	ssyncadd.s32 @!p0 $0xFFFFFF80  }
0xc2: {  	_ =	swait.ge @!p0 [sflag:s0], $0x80  }
0xc3: {  	[sflag:s0] =	ssyncset.done @!p0 $0x0  }
0xc4: {  	[sflag:s0] =	ssyncadd.s32 @!p0 $0xFFFFFF80  }
0xc5: {  	_ =	swait.ge [sflag:s13], $0x200  }
0xc6: {  	[sflag:s13] =	ssyncset.done $0x0  }
0xc7: {  	s6 =	sadd.s32 s31, s10;
	[sflag:s13] =	ssyncadd.s32 $0xFFFFFE00  }
0xc8: {  	[tilespmem:s14], [sflag:$0x1] =	stream.linear.gather [hbm4b:s6+s3], $0x200, $0x38;
	[tilespmem:$0x1F00] =	vst v63  }
0xc9: {  	_ = 	snop  }
0xca: {  	[spmem:s2] =	stream.indirect.scatter.add.f32 [tilespmem:s16], [sflag:$0x2], $0x1, s3, s15, $0xb8;
	[tilespmem:$0x1F00] =	vst v63  }
0xcb: {  	_ = 	snop  }
0xcc: {  	[spmem:s2] =	stream.indirect.scatter.add.f32 [tilespmem:s16], [sflag:$0x2], $0x1, s15, s15, $0xb8;
	[tilespmem:$0x1F00] =	vst v63  }
0xcd: {  	_ = 	snop  }
0xce: {  	[spmem:s2] =	stream.indirect.scatter.add.f32 [tilespmem:s16], [sflag:$0x2], $0x1, s17, s15, $0xb8;
	[tilespmem:$0x1F00] =	vst v63  }
0xcf: {  	s0 =	simm.s32 @!p0 $0x4  }
0xd0: {  	[spmem:s2] =	stream.indirect.scatter.add.f32 [tilespmem:s16], [sflag:$0x2], $0x1, s18, s15, $0xb8;
	[tilespmem:$0x1F00] =	vst v63  }
0xd1: {  	_ =	swait.ge @!p0 [sflag:s0], $0x80  }
0xd2: {  	[sflag:s0] =	ssyncset.done @!p0 $0x0  }
0xd3: {  	[sflag:s0] =	ssyncadd.s32 @!p0 $0xFFFFFF80  }
0xd4: {  	_ =	swait.ge @!p0 [sflag:s0], $0x80  }
0xd5: {  	[sflag:s0] =	ssyncset.done @!p0 $0x0  }
0xd6: {  	[sflag:s0] =	ssyncadd.s32 @!p0 $0xFFFFFF80  }
0xd7: {  	_ =	swait.ge @!p0 [sflag:s0], $0x80  }
0xd8: {  	[sflag:s0] =	ssyncset.done @!p0 $0x0  }
0xd9: {  	[sflag:s0] =	ssyncadd.s32 @!p0 $0xFFFFFF80  }
0xda: {  	_ =	swait.ge @!p0 [sflag:s0], $0x80  }
0xdb: {  	[sflag:s0] =	ssyncset.done @!p0 $0x0  }
0xdc: {  	[sflag:s0] =	ssyncadd.s32 @!p0 $0xFFFFFF80  }
0xdd: {  	_ =	swait.ge [sflag:s13], $0x200  }
0xde: {  	[sflag:s13] =	ssyncset.done $0x0  }
0xdf: {  	s4 =	sadd.s32 s31, s9;
	[sflag:s13] =	ssyncadd.s32 $0xFFFFFE00  }
0xe0: {  	[tilespmem:s19], [sflag:$0x1] =	stream.linear.gather [hbm4b:s4+s3], $0x200, $0x38;
	[tilespmem:$0x1F00] =	vst v63  }
0xe1: {  	_ = 	snop  }
0xe2: {  	[spmem:s2] =	stream.indirect.scatter.add.f32 [tilespmem:s16], [sflag:$0x3], $0x1, s14, s15, $0xb8;
	[tilespmem:$0x1F00] =	vst v63  }
0xe3: {  	_ = 	snop  }
0xe4: {  	[spmem:s2] =	stream.indirect.scatter.add.f32 [tilespmem:s16], [sflag:$0x3], $0x1, s20, s15, $0xb8;
	[tilespmem:$0x1F00] =	vst v63  }
0xe5: {  	_ = 	snop  }
0xe6: {  	[spmem:s2] =	stream.indirect.scatter.add.f32 [tilespmem:s16], [sflag:$0x3], $0x1, s21, s15, $0xb8;
	[tilespmem:$0x1F00] =	vst v63  }
0xe7: {  	_ = 	snop  }
0xe8: {  	[spmem:s2] =	stream.indirect.scatter.add.f32 [tilespmem:s16], [sflag:$0x3], $0x1, s22, s15, $0xb8;
	[tilespmem:$0x1F00] =	vst v63  }
0xe9: {  	_ =	swait.ge [sflag:s23], $0x80  }
0xea: {  	[sflag:s23] =	ssyncset.done $0x0  }
0xeb: {  	[sflag:s23] =	ssyncadd.s32 $0xFFFFFF80  }
0xec: {  	_ =	swait.ge [sflag:s23], $0x80  }
0xed: {  	[sflag:s23] =	ssyncset.done $0x0  }
0xee: {  	[sflag:s23] =	ssyncadd.s32 $0xFFFFFF80  }
0xef: {  	_ =	swait.ge [sflag:s23], $0x80  }
0xf0: {  	[sflag:s23] =	ssyncset.done $0x0  }
0xf1: {  	[sflag:s23] =	ssyncadd.s32 $0xFFFFFF80  }
0xf2: {  	_ =	swait.ge [sflag:s23], $0x80  }
0xf3: {  	[sflag:s23] =	ssyncset.done $0x0  }
0xf4: {  	[sflag:s23] =	ssyncadd.s32 $0xFFFFFF80  }
0xf5: {  	_ =	swait.ge [sflag:s13], $0x200  }
0xf6: {  	p0 =	seq.s32 s31, $0x1800;
	[sflag:s13] =	ssyncset.done $0x0  }
0xf7: {  	s0 =	sadd.s32 @!p0 s31, s8;
	s4 =	simm.s32 @!p0 $0x0;
	[sflag:s13] =	ssyncadd.s32 $0xFFFFFE00  }
0xf8: {  	[tilespmem:s4], [sflag:$0x1] =	stream.linear.gather @!p0 [hbm4b:s0+s4], $0x200, $0x38;
	[tilespmem:$0x1F00] =	vst v63  }
0xf9: {  	_ = 	snop  }
0xfa: {  	[spmem:s2] =	stream.indirect.scatter.add.f32 [tilespmem:s16], [sflag:$0x4], $0x1, s19, s15, $0xb8;
	[tilespmem:$0x1F00] =	vst v63  }
0xfb: {  	_ = 	snop  }
0xfc: {  	[spmem:s2] =	stream.indirect.scatter.add.f32 [tilespmem:s16], [sflag:$0x4], $0x1, s25, s15, $0xb8;
	[tilespmem:$0x1F00] =	vst v63  }
0xfd: {  	_ = 	snop  }
0xfe: {  	[spmem:s2] =	stream.indirect.scatter.add.f32 [tilespmem:s16], [sflag:$0x4], $0x1, s26, s15, $0xb8;
	[tilespmem:$0x1F00] =	vst v63  }
0xff: {  	_ = 	snop  }
0x100: {  	[spmem:s2] =	stream.indirect.scatter.add.f32 [tilespmem:s16], [sflag:$0x4], $0x1, s28, s15, $0xb8;
	[tilespmem:$0x1F00] =	vst v63  }
0x101: {  	_ =	swait.ge [sflag:s29], $0x80  }
0x102: {  	[sflag:s29] =	ssyncset.done $0x0  }
0x103: {  	[sflag:s29] =	ssyncadd.s32 $0xFFFFFF80  }
0x104: {  	_ =	swait.ge [sflag:s29], $0x80  }
0x105: {  	[sflag:s29] =	ssyncset.done $0x0  }
0x106: {  	[sflag:s29] =	ssyncadd.s32 $0xFFFFFF80  }
0x107: {  	_ =	swait.ge [sflag:s29], $0x80  }
0x108: {  	[sflag:s29] =	ssyncset.done $0x0  }
0x109: {  	[sflag:s29] =	ssyncadd.s32 $0xFFFFFF80  }
0x10a: {  	_ =	swait.ge [sflag:s29], $0x80  }
0x10b: {  	[sflag:s29] =	ssyncset.done $0x0  }
0x10c: {  	[sflag:s29] =	ssyncadd.s32 $0xFFFFFF80  }
0x10d: {  	_ =	swait.ge [sflag:s30], $0x80  }
0x10e: {  	[sflag:s30] =	ssyncset.done $0x0  }
0x10f: {  	[sflag:s30] =	ssyncadd.s32 $0xFFFFFF80  }
0x110: {  	_ =	swait.ge [sflag:s30], $0x80  }
0x111: {  	[sflag:s30] =	ssyncset.done $0x0  }
0x112: {  	[sflag:s30] =	ssyncadd.s32 $0xFFFFFF80  }
0x113: {  	_ =	swait.ge [sflag:s30], $0x80  }
0x114: {  	[sflag:s30] =	ssyncset.done $0x0  }
0x115: {  	[sflag:s30] =	ssyncadd.s32 $0xFFFFFF80  }
0x116: {  	_ =	swait.ge [sflag:s30], $0x80  }
0x117: {  	s1 =	sadd.s32 $0x1, s1;
	[sflag:s30] =	ssyncset.done $0x0  }
0x118: {  	s6 =	simm.s32 $0x20;
	p0 =	sne.s32 s1, s7;
	[sflag:s30] =	ssyncadd.s32 $0xFFFFFF80  }
.Ltmp1:
0x119: {  	s31 =	simm.s32 $0x10;
	[bflag:$0x0] =	sbarrier.arrive $0xFFFF;
	(pc) =	sbr.rel @p0 .LBB2_1-.Ltmp1, $4  }
0x11a: {  	[hbm:s24@s6], [sflag:s5] =	dma.strided [spmem:s11@s31], $0x310, s13, $0x10   }
0x11b: {  	_ =	swait.ge [sflag:s12], $0x310  }
0x11c: {  	[sflag:s12] =	ssyncset.done $0x0  }
0x11d: {  	[sflag:s12] =	ssyncadd.s32 $0xFFFFFCF0  }
0x11e: {  	_ =	sfence.sel $0x180000  }
0x11f: {  	[bflag:$0x0] =	sbarrier.arrive $0xFFFF  }
0x120: {  	_ =	strace $0x90000047  }
0x121: {  	s0 =	stileid.u32;
	[bflag:$0x2] =	sbarrier.arrive $0xFFFF  }
0x122: {  	p0 =	sne.s32 s0, $0x0;
	s0 =	rddreg [dreg:$0x4]  }
0x123: {  	s0 =	sadd.s32 @!p0 $0x100000, s0  }
0x124: {  	[sflag:s0] =	ssyncadd.tile.s32 @!p0 $0x1;
	_ =	shalt  }
.Lfunc_end2:
_tile_overlayer_lowered:
.L_overlay_start_2:
0x125: {  	(tag) =	ssettag $0x2  }
0x126: {  	s0 =	rddreg [dreg:$0x0];
	s2 =	stileid.u32  }
0x127: {  	s1 =	rddreg [dreg:$0x1];
	p0 =	sne.s32 s2, $0x0  }
0x128: {  	s3 =	rddreg [dreg:$0x2];
	[bflag:$0x3] =	sbarrier.arrive $0xFFFF;
	s2 =	simm.s32 @!p0 $0x1C05  }
0x129: {  	[timem:s3], [sflag:s2] =	dma.local @!p0 [hbm:s0], s1  }
0x12a: {  	s0 =	simm.s32 @!p0 $0x5  }
0x12b: {  	_ =	swait.ge @!p0 [sflag:s0], s1  }
0x12c: {  	s1 =	ssub.s32 @!p0 $0x0, s1;
	[sflag:s0] =	ssyncset.done @!p0 $0x0  }
0x12d: {  	[sflag:s0] =	ssyncadd.s32 @!p0 s1  }
0x12e: {  	[bflag:$0x3] =	sbarrier.arrive $0xFFFF  }
0x12f: {  	_ =	shalt  }

</sc_bundles>
